<compile_context>
chip_gen: v7x
topology: tpu7x:2x2x1
jax: 0.10.2.dev20260603
libtpu: 0.0.44.dev20260713+nightly
codegen_flags: <defaults>
</compile_context>

<pallas_src>
import functools

import jax
import jax.numpy as jnp
from jax import lax
from jax.experimental import pallas as pl
from jax.experimental.pallas import tpu as pltpu
from jax.experimental.pallas import tpu_sc as plsc

NN = 10000
EE = 320000
DH = 16

NC = 2
NS = 16
CH = 80
EPT = EE // (NC * NS)
NCHUNK = EPT // CH
RPT = NN // NS

_mesh = plsc.VectorSubcoreMesh(core_axis_name="c", subcore_axis_name="s")


def _zero_fill(buf, nrows):
    def body(i, _):
        buf[i, :] = jnp.zeros((DH,), jnp.float32)
        return _
    lax.fori_loop(0, nrows, body, None)


def _deg_body(ei_hbm, out_hbm, idx_d, ones_v, stage, zsh, sem):
    cid = lax.axis_index("c")
    sid = lax.axis_index("s")
    wid = cid * NS + sid

    def fill_ones(i, _):
        ones_v[i, :] = jnp.full((DH,), 1.0, jnp.float32)
        return _
    lax.fori_loop(0, CH, fill_ones, None)

    _zero_fill(stage, RPT)
    pltpu.sync_copy(stage, zsh.at[pl.ds(sid * RPT, RPT)])
    pltpu.sync_copy(ei_hbm.at[1, wid], idx_d)
    plsc.subcore_barrier()

    for k in range(4):
        pltpu.async_copy(ones_v, zsh.at[idx_d.at[k]], sem, add=True)

    def chunk(i, _):
        pltpu.make_async_copy(ones_v, zsh.at[idx_d.at[i]], sem).wait()
        pltpu.async_copy(ones_v, zsh.at[idx_d.at[i + 4]], sem, add=True)
        return _
    lax.fori_loop(0, NCHUNK - 4, chunk, None)
    for k in range(4):
        pltpu.make_async_copy(ones_v, zsh.at[idx_d.at[0]], sem).wait()
    plsc.subcore_barrier()

    pltpu.sync_copy(zsh.at[pl.ds(sid * RPT, RPT)], stage)
    pltpu.sync_copy(stage, out_hbm.at[cid, sid])


_deg_call = pl.kernel(
    _deg_body,
    out_type=jax.ShapeDtypeStruct((NC, NS, RPT, DH), jnp.float32),
    mesh=_mesh,
    compiler_params=pltpu.CompilerParams(use_tc_tiling_on_sc=False),
    scratch_types=[
        pltpu.VMEM((NCHUNK, CH), jnp.int32),
        pltpu.VMEM((CH, DH), jnp.float32),
        pltpu.VMEM((RPT, DH), jnp.float32),
        pltpu.VMEM_SHARED((NN, DH), jnp.float32),
        pltpu.SemaphoreType.DMA,
    ],
)


def _scat_body(y_hbm, ei_hbm, out_hbm, idx_s, idx_d, rows0, rows1,
               stage, zsh, ybuf, sem0, sem1):
    cid = lax.axis_index("c")
    sid = lax.axis_index("s")
    wid = cid * NS + sid

    _zero_fill(stage, RPT)
    pltpu.sync_copy(stage, zsh.at[pl.ds(sid * RPT, RPT)])
    pltpu.sync_copy(y_hbm.at[pl.ds(sid * RPT, RPT)],
                    ybuf.at[pl.ds(sid * RPT, RPT)])
    pltpu.sync_copy(ei_hbm.at[0, wid], idx_s)
    pltpu.sync_copy(ei_hbm.at[1, wid], idx_d)
    plsc.subcore_barrier()

    pltpu.async_copy(ybuf.at[idx_s.at[0]], rows0, sem0)

    def pair(j, _):
        i0 = 2 * j
        pltpu.make_async_copy(ybuf.at[idx_s.at[i0]], rows0, sem0).wait()
        pltpu.async_copy(ybuf.at[idx_s.at[i0 + 1]], rows1, sem1)
        pltpu.sync_copy(rows0, zsh.at[idx_d.at[i0]], add=True)
        pltpu.make_async_copy(ybuf.at[idx_s.at[i0 + 1]], rows1, sem1).wait()
        pltpu.async_copy(ybuf.at[idx_s.at[i0 + 2]], rows0, sem0)
        pltpu.sync_copy(rows1, zsh.at[idx_d.at[i0 + 1]], add=True)
        return _
    lax.fori_loop(0, (NCHUNK - 1) // 2, pair, None)

    pltpu.make_async_copy(ybuf.at[idx_s.at[NCHUNK - 1]], rows0, sem0).wait()
    pltpu.sync_copy(rows0, zsh.at[idx_d.at[NCHUNK - 1]], add=True)
    plsc.subcore_barrier()

    pltpu.sync_copy(zsh.at[pl.ds(sid * RPT, RPT)], stage)
    pltpu.sync_copy(stage, out_hbm.at[cid, sid])


_scat_call = pl.kernel(
    _scat_body,
    out_type=jax.ShapeDtypeStruct((NC, NS, RPT, DH), jnp.float32),
    mesh=_mesh,
    compiler_params=pltpu.CompilerParams(use_tc_tiling_on_sc=False),
    scratch_types=[
        pltpu.VMEM((NCHUNK, CH), jnp.int32),
        pltpu.VMEM((NCHUNK, CH), jnp.int32),
        pltpu.VMEM((CH, DH), jnp.float32),
        pltpu.VMEM((CH, DH), jnp.float32),
        pltpu.VMEM((RPT, DH), jnp.float32),
        pltpu.VMEM_SHARED((NN, DH), jnp.float32),
        pltpu.VMEM_SHARED((NN, DH), jnp.float32),
        pltpu.SemaphoreType.DMA,
        pltpu.SemaphoreType.DMA,
    ],
)


def _scat2_body(y1_hbm, z1p_hbm, dinv_hbm, b1_hbm, ei_hbm,
                out_hbm, y2_hbm, idx_s, idx_d, rows0, rows1, stage,
                sa, sb, sc_, sd, b1v, zsh, ybuf, sem0, sem1):
    cid = lax.axis_index("c")
    sid = lax.axis_index("s")
    wid = cid * NS + sid

    _zero_fill(stage, RPT)
    pltpu.sync_copy(stage, zsh.at[pl.ds(sid * RPT, RPT)])
    sl = pl.ds(sid * RPT, RPT)
    pltpu.sync_copy(y1_hbm.at[sl], sa)
    pltpu.sync_copy(z1p_hbm.at[0, sid], sb)
    pltpu.sync_copy(z1p_hbm.at[1, sid], sc_)
    pltpu.sync_copy(dinv_hbm.at[sl], sd)
    pltpu.sync_copy(b1_hbm, b1v)
    pltpu.sync_copy(ei_hbm.at[0, wid], idx_s)
    pltpu.sync_copy(ei_hbm.at[1, wid], idx_d)

    bias = b1v[...]

    def node(i, _):
        z = sa[i, :] + sb[i, :] + sc_[i, :]
        dv = sd[i, :]
        h = jnp.maximum(dv * z + bias, 0.0)
        sa[i, :] = dv * h
        return _
    lax.fori_loop(0, RPT, node, None)
    pltpu.sync_copy(sa, ybuf.at[sl])

    @pl.when(cid == 0)
    def _():
        pltpu.sync_copy(sa, y2_hbm.at[sid])
    plsc.subcore_barrier()

    pltpu.async_copy(ybuf.at[idx_s.at[0]], rows0, sem0)

    def pair(j, _):
        i0 = 2 * j
        pltpu.make_async_copy(ybuf.at[idx_s.at[i0]], rows0, sem0).wait()
        pltpu.async_copy(ybuf.at[idx_s.at[i0 + 1]], rows1, sem1)
        pltpu.sync_copy(rows0, zsh.at[idx_d.at[i0]], add=True)
        pltpu.make_async_copy(ybuf.at[idx_s.at[i0 + 1]], rows1, sem1).wait()
        pltpu.async_copy(ybuf.at[idx_s.at[i0 + 2]], rows0, sem0)
        pltpu.sync_copy(rows1, zsh.at[idx_d.at[i0 + 1]], add=True)
        return _
    lax.fori_loop(0, (NCHUNK - 1) // 2, pair, None)

    pltpu.make_async_copy(ybuf.at[idx_s.at[NCHUNK - 1]], rows0, sem0).wait()
    pltpu.sync_copy(rows0, zsh.at[idx_d.at[NCHUNK - 1]], add=True)
    plsc.subcore_barrier()

    pltpu.sync_copy(zsh.at[pl.ds(sid * RPT, RPT)], stage)
    pltpu.sync_copy(stage, out_hbm.at[cid, sid])


_scat2_call = pl.kernel(
    _scat2_body,
    out_type=[
        jax.ShapeDtypeStruct((NC, NS, RPT, DH), jnp.float32),
        jax.ShapeDtypeStruct((NS, RPT, DH), jnp.float32),
    ],
    mesh=_mesh,
    compiler_params=pltpu.CompilerParams(use_tc_tiling_on_sc=False),
    scratch_types=[
        pltpu.VMEM((NCHUNK, CH), jnp.int32),
        pltpu.VMEM((NCHUNK, CH), jnp.int32),
        pltpu.VMEM((CH, DH), jnp.float32),
        pltpu.VMEM((CH, DH), jnp.float32),
        pltpu.VMEM((RPT, DH), jnp.float32),
        pltpu.VMEM((RPT, DH), jnp.float32),
        pltpu.VMEM((RPT, DH), jnp.float32),
        pltpu.VMEM((RPT, DH), jnp.float32),
        pltpu.VMEM((RPT, DH), jnp.float32),
        pltpu.VMEM((DH,), jnp.float32),
        pltpu.VMEM_SHARED((NN, DH), jnp.float32),
        pltpu.VMEM_SHARED((NN, DH), jnp.float32),
        pltpu.SemaphoreType.DMA,
        pltpu.SemaphoreType.DMA,
    ],
)



def _prep_body(x_ref, w1_ref, degp_ref, y1_ref, dinv_ref):
    xw = jnp.dot(x_ref[...], w1_ref[...], preferred_element_type=jnp.float32)
    deg = degp_ref[0] + degp_ref[1] + 1.0
    dinv = lax.rsqrt(deg)
    dinv_ref[...] = dinv
    y1_ref[...] = dinv * xw


_prep_call = pl.pallas_call(
    _prep_body,
    out_shape=[
        jax.ShapeDtypeStruct((NN, DH), jnp.float32),
        jax.ShapeDtypeStruct((NN, DH), jnp.float32),
    ],
)


def _fin_body(y2_ref, z_ref, dinv_ref, w2_ref, b2_ref, o_ref):
    t = dinv_ref[...] * (y2_ref[...] + z_ref[0] + z_ref[1])
    h = jnp.dot(t, w2_ref[...], preferred_element_type=jnp.float32) + b2_ref[...]
    m = jnp.max(h, axis=1, keepdims=True)
    s = h - m
    lse = jnp.log(jnp.sum(jnp.exp(s), axis=1, keepdims=True))
    o_ref[...] = s - lse


_fin_call = pl.pallas_call(
    _fin_body,
    out_shape=jax.ShapeDtypeStruct((NN, 2), jnp.float32),
)


def kernel(x, edge_index, W1, b1, W2, b2):
    ei = edge_index.reshape(2, NC * NS, NCHUNK, CH)
    degp = _deg_call(ei).reshape(NC, NN, DH)
    y1, dinv = _prep_call(x, W1, degp)
    z1 = _scat_call(y1, ei)
    z2, y2 = _scat2_call(y1, z1, dinv, b1, ei)
    return _fin_call(y2.reshape(NN, DH), z2.reshape(NC, NN, DH), dinv, W2,
                     b2.reshape(1, 2))

# --- scband reference (transcript-rebuilt; emitter-appended) ---
"""Pipeline reference for scband-gcnanomaly-detector-5866925326770 (READ-ONLY COPY).

The authoritative reference and input builder live on the scoring server;
editing this copy changes nothing except your own understanding.
"""

import jax, jax.numpy as jnp
import numpy as np

N = 10000
E = 320000
D_IN = 128
D_HID = 16
D_OUT = 2


def _gcn_conv(x, src, dst, W, b):
    n = x.shape[0]
    loop = jnp.arange(n, dtype=src.dtype)
    s = jnp.concatenate([src, loop])
    d = jnp.concatenate([dst, loop])
    xw = x @ W
    deg = jnp.zeros((n,), dtype=xw.dtype).at[d].add(1.0)
    dinv = jnp.where(deg > 0, deg ** -0.5, 0.0)
    norm = dinv[s] * dinv[d]
    msg = xw[s] * norm[:, None]
    out = jnp.zeros((n, xw.shape[1]), dtype=xw.dtype).at[d].add(msg)
    return out + b


def setup_inputs(seed: int = 0):
    key = jax.random.key(seed)
    k1, k2, k3, k4, k5, k6 = jax.random.split(key, 6)
    x = jax.random.normal(k1, (N, D_IN), dtype=jnp.float32)
    edge_index = jax.random.randint(k2, (2, E), 0, N, dtype=jnp.int32)
    W1 = jax.random.normal(k3, (D_IN, D_HID), dtype=jnp.float32) * (1.0 / np.sqrt(D_IN))
    b1 = jnp.zeros((D_HID,), dtype=jnp.float32)
    W2 = jax.random.normal(k4, (D_HID, D_OUT), dtype=jnp.float32) * (1.0 / np.sqrt(D_HID))
    b2 = jnp.zeros((D_OUT,), dtype=jnp.float32)
    return {"x": x, "edge_index": edge_index, "W1": W1, "b1": b1, "W2": W2, "b2": b2}


def reference(x, edge_index, W1, b1, W2, b2):
    src = edge_index[0]
    dst = edge_index[1]
    h = _gcn_conv(x, src, dst, W1, b1)
    h = jax.nn.relu(h)
    h = _gcn_conv(h, src, dst, W2, b2)
    return jax.nn.log_softmax(h, axis=1)

if __name__ == "__main__":
    import jax
    _d = setup_inputs()
    print(jax.jit(kernel)(*tuple(_d.values())))

</pallas_src>

<mosaic_0001>
#map = affine_map<(d0, d1) -> (0, 0, 0, 0)>
module attributes {stable_mosaic.version = 14 : i64} {
  func.func @_deg_body(%arg0: i32, %arg1: i32, %arg2: memref<2x32x125x80xi32, #tpu.memory_space<hbm>>, %arg3: memref<2x16x625x16xf32, #tpu.memory_space<hbm>>, %arg4: memref<125x80xi32, #tpu.memory_space<vmem>>, %arg5: memref<80x16xf32, #tpu.memory_space<vmem>>, %arg6: memref<625x16xf32, #tpu.memory_space<vmem>>, %arg7: memref<10000x16xf32, #tpu.memory_space<vmem_shared>>, %arg8: memref<!tpu.dma_semaphore, #tpu.memory_space<semaphore_mem>>) attributes {dimension_semantics = [#tpu.dimension_semantics<core_parallel>, #tpu.dimension_semantics<subcore_parallel>], iteration_bounds = array<i64: 2, 16>, scalar_prefetch = 0 : i64, scratch_operands = 5 : i64, tpu.core_type = #tpu.core_type<sc_vector_subcore>, window_params = [{transform_indices = #map}, {transform_indices = #map}]} {
    %mul3A = arith.constant 16 : i32
    %mul3A_0 = arith.muli %arg0, %mul3A : i32
    %add3A = arith.addi %mul3A_0, %arg1 : i32
    %scan3A = arith.constant 0 : i32
    %scan3A_1 = arith.constant 80 : i32
    %scan3A_2 = arith.addi %scan3A, %scan3A_1 : i32
    %scan3A_3 = arith.constant 1 : i32
    scf.for %scan3A_74 = %scan3A to %scan3A_2 step %scan3A_3  : i32 {
      %broadcast_in_dim3A = arith.constant 1.000000e+00 : f32
      %broadcast_in_dim3A_75 = vector.broadcast %broadcast_in_dim3A : f32 to vector<16xf32>
      %swap3A = arith.index_cast %scan3A_74 : i32 to index
      %swap3A_76 = arith.constant 0 : index
      %swap3A_77 = tpu.vector_load %arg5[%swap3A, %swap3A_76] {strides = array<i32>} : memref<80x16xf32, #tpu.memory_space<vmem>>, vector<1x16xf32>,
      %swap3A_78 = vector.shape_cast %swap3A_77 : vector<1x16xf32> to vector<16xf32>
      %swap3A_79 = vector.shape_cast %broadcast_in_dim3A_75 : vector<16xf32> to vector<1x16xf32>
      tpu.vector_store %arg5[%swap3A, %swap3A_76], %swap3A_79 {strides = array<i32>} : memref<80x16xf32, #tpu.memory_space<vmem>>, vector<1x16xf32>,
    }
    %scan3A_4 = arith.constant 80 : i32
    %scan3A_5 = arith.constant 0 : i32
    %scan3A_6 = arith.constant 625 : i32
    %scan3A_7 = arith.addi %scan3A_5, %scan3A_6 : i32
    %scan3A_8 = arith.constant 1 : i32
    scf.for %scan3A_74 = %scan3A_5 to %scan3A_7 step %scan3A_8  : i32 {
      %broadcast_in_dim3A = arith.constant 0.000000e+00 : f32
      %broadcast_in_dim3A_75 = vector.broadcast %broadcast_in_dim3A : f32 to vector<16xf32>
      %swap3A = arith.index_cast %scan3A_74 : i32 to index
      %swap3A_76 = arith.constant 0 : index
      %swap3A_77 = tpu.vector_load %arg6[%swap3A, %swap3A_76] {strides = array<i32>} : memref<625x16xf32, #tpu.memory_space<vmem>>, vector<1x16xf32>,
      %swap3A_78 = vector.shape_cast %swap3A_77 : vector<1x16xf32> to vector<16xf32>
      %swap3A_79 = vector.shape_cast %broadcast_in_dim3A_75 : vector<16xf32> to vector<1x16xf32>
      tpu.vector_store %arg6[%swap3A, %swap3A_76], %swap3A_79 {strides = array<i32>} : memref<625x16xf32, #tpu.memory_space<vmem>>, vector<1x16xf32>,
    }
    %scan3A_9 = arith.constant 625 : i32
    %mul3A_10 = arith.constant 625 : i32
    %mul3A_11 = arith.muli %arg1, %mul3A_10 : i32
    "tpu.region"() ({
      %run_scoped3A_74 = tpu.sem_alloc : memref<!tpu.dma_semaphore, #tpu.memory_space<semaphore_mem>>
      %dma_start3A_75 = arith.constant 0 : i32
      %dma_start3A_76 = tpu.memref_slice %arg7[%mul3A_11, %dma_start3A_75] : memref<10000x16xf32, #tpu.memory_space<vmem_shared>> -> memref<625x16xf32, #tpu.memory_space<vmem_shared>>
      %dma_start3A_77 = arith.constant 0 : i32
      %dma_start3A_78 = tpu.memref_slice %arg7[%mul3A_11, %dma_start3A_77] : memref<10000x16xf32, #tpu.memory_space<vmem_shared>> -> memref<625x16xf32, #tpu.memory_space<vmem_shared>>
      tpu.enqueue_dma source(%arg6 : memref<625x16xf32, #tpu.memory_space<vmem>>) target(%dma_start3A_78 : memref<625x16xf32, #tpu.memory_space<vmem_shared>>) target_semaphore(%run_scoped3A_74 : memref<!tpu.dma_semaphore, #tpu.memory_space<semaphore_mem>>)
      %dma_wait3A_79 = arith.constant 0 : i32
      %dma_wait3A_80 = tpu.memref_slice %arg7[%mul3A_11, %dma_wait3A_79] : memref<10000x16xf32, #tpu.memory_space<vmem_shared>> -> memref<625x16xf32, #tpu.memory_space<vmem_shared>>
      %dma_wait3A_81 = arith.constant 0 : i32
      %dma_wait3A_82 = tpu.memref_slice %arg7[%mul3A_11, %dma_wait3A_81] : memref<10000x16xf32, #tpu.memory_space<vmem_shared>> -> memref<625x16xf32, #tpu.memory_space<vmem_shared>>
      tpu.wait_dma2 semaphore(%run_scoped3A_74 : memref<!tpu.dma_semaphore, #tpu.memory_space<semaphore_mem>>) src(%arg6 : memref<625x16xf32, #tpu.memory_space<vmem>>) dst(%dma_wait3A_82 : memref<625x16xf32, #tpu.memory_space<vmem_shared>>)
      tpu.yield
    }) : () -> ()
    %run_scoped3A = arith.constant 1 : i32
    "tpu.region"() ({
      %run_scoped3A_74 = tpu.sem_alloc : memref<!tpu.dma_semaphore, #tpu.memory_space<semaphore_mem>>
      %dma_start3A_75 = arith.constant 0 : i32
      %dma_start3A_76 = arith.constant 0 : i32
      %dma_start3A_77 = tpu.memref_slice %arg2[%run_scoped3A, %add3A, %dma_start3A_75, %dma_start3A_76] : memref<2x32x125x80xi32, #tpu.memory_space<hbm>> -> memref<1x1x125x80xi32, #tpu.memory_space<hbm>>
      %dma_start3A_78 = tpu.memref_squeeze %dma_start3A_77 : memref<1x1x125x80xi32, #tpu.memory_space<hbm>> -> memref<125x80xi32, #tpu.memory_space<hbm>>
      %dma_start3A_79 = arith.constant 0 : i32
      %dma_start3A_80 = arith.constant 0 : i32
      %dma_start3A_81 = tpu.memref_slice %arg2[%run_scoped3A, %add3A, %dma_start3A_79, %dma_start3A_80] : memref<2x32x125x80xi32, #tpu.memory_space<hbm>> -> memref<1x1x125x80xi32, #tpu.memory_space<hbm>>
      %dma_start3A_82 = tpu.memref_squeeze %dma_start3A_81 : memref<1x1x125x80xi32, #tpu.memory_space<hbm>> -> memref<125x80xi32, #tpu.memory_space<hbm>>
      tpu.enqueue_dma source(%dma_start3A_82 : memref<125x80xi32, #tpu.memory_space<hbm>>) target(%arg4 : memref<125x80xi32, #tpu.memory_space<vmem>>) target_semaphore(%run_scoped3A_74 : memref<!tpu.dma_semaphore, #tpu.memory_space<semaphore_mem>>)
      %dma_wait3A_83 = arith.constant 0 : i32
      %dma_wait3A_84 = arith.constant 0 : i32
      %dma_wait3A_85 = tpu.memref_slice %arg2[%run_scoped3A, %add3A, %dma_wait3A_83, %dma_wait3A_84] : memref<2x32x125x80xi32, #tpu.memory_space<hbm>> -> memref<1x1x125x80xi32, #tpu.memory_space<hbm>>
      %dma_wait3A_86 = tpu.memref_squeeze %dma_wait3A_85 : memref<1x1x125x80xi32, #tpu.memory_space<hbm>> -> memref<125x80xi32, #tpu.memory_space<hbm>>
      %dma_wait3A_87 = arith.constant 0 : i32
      %dma_wait3A_88 = arith.constant 0 : i32
      %dma_wait3A_89 = tpu.memref_slice %arg2[%run_scoped3A, %add3A, %dma_wait3A_87, %dma_wait3A_88] : memref<2x32x125x80xi32, #tpu.memory_space<hbm>> -> memref<1x1x125x80xi32, #tpu.memory_space<hbm>>
      %dma_wait3A_90 = tpu.memref_squeeze %dma_wait3A_89 : memref<1x1x125x80xi32, #tpu.memory_space<hbm>> -> memref<125x80xi32, #tpu.memory_space<hbm>>
      tpu.wait_dma2 semaphore(%run_scoped3A_74 : memref<!tpu.dma_semaphore, #tpu.memory_space<semaphore_mem>>) src(%dma_wait3A_90 : memref<125x80xi32, #tpu.memory_space<hbm>>) dst(%arg4 : memref<125x80xi32, #tpu.memory_space<vmem>>)
      tpu.yield
    }) : () -> ()
    %barrier3A = arith.constant 0 : index
    tpu.barrier barrier_id(%barrier3A)
    %dma_start3A = arith.constant 0 : i32
    %dma_start3A_12 = arith.constant 0 : i32
    %dma_start3A_13 = tpu.memref_slice %arg4[%dma_start3A, %dma_start3A_12] : memref<125x80xi32, #tpu.memory_space<vmem>> -> memref<1x80xi32, #tpu.memory_space<vmem>>
    %dma_start3A_14 = tpu.memref_squeeze %dma_start3A_13 : memref<1x80xi32, #tpu.memory_space<vmem>> -> memref<80xi32, #tpu.memory_space<vmem>>
    %dma_start3A_15 = arith.constant 0 : i32
    %dma_start3A_16 = arith.constant 0 : i32
    %dma_start3A_17 = tpu.memref_slice %arg7[%dma_start3A_15, %dma_start3A_16] : memref<10000x16xf32, #tpu.memory_space<vmem_shared>> -> memref<10000x16xf32, #tpu.memory_space<vmem_shared>>
    tpu.enqueue_indirect_dma source(%arg5 : memref<80x16xf32, #tpu.memory_space<vmem>>) target(%dma_start3A_17 : memref<10000x16xf32, #tpu.memory_space<vmem_shared>>) offsets(%dma_start3A_14 : memref<80xi32, #tpu.memory_space<vmem>>) semaphore(%arg8 : memref<!tpu.dma_semaphore, #tpu.memory_space<semaphore_mem>>) {add = true}
    %dma_start3A_18 = arith.constant 1 : i32
    %dma_start3A_19 = arith.constant 0 : i32
    %dma_start3A_20 = tpu.memref_slice %arg4[%dma_start3A_18, %dma_start3A_19] : memref<125x80xi32, #tpu.memory_space<vmem>> -> memref<1x80xi32, #tpu.memory_space<vmem>>
    %dma_start3A_21 = tpu.memref_squeeze %dma_start3A_20 : memref<1x80xi32, #tpu.memory_space<vmem>> -> memref<80xi32, #tpu.memory_space<vmem>>
    %dma_start3A_22 = arith.constant 0 : i32
    %dma_start3A_23 = arith.constant 0 : i32
    %dma_start3A_24 = tpu.memref_slice %arg7[%dma_start3A_22, %dma_start3A_23] : memref<10000x16xf32, #tpu.memory_space<vmem_shared>> -> memref<10000x16xf32, #tpu.memory_space<vmem_shared>>
    tpu.enqueue_indirect_dma source(%arg5 : memref<80x16xf32, #tpu.memory_space<vmem>>) target(%dma_start3A_24 : memref<10000x16xf32, #tpu.memory_space<vmem_shared>>) offsets(%dma_start3A_21 : memref<80xi32, #tpu.memory_space<vmem>>) semaphore(%arg8 : memref<!tpu.dma_semaphore, #tpu.memory_space<semaphore_mem>>) {add = true}
    %dma_start3A_25 = arith.constant 2 : i32
    %dma_start3A_26 = arith.constant 0 : i32
    %dma_start3A_27 = tpu.memref_slice %arg4[%dma_start3A_25, %dma_start3A_26] : memref<125x80xi32, #tpu.memory_space<vmem>> -> memref<1x80xi32, #tpu.memory_space<vmem>>
    %dma_start3A_28 = tpu.memref_squeeze %dma_start3A_27 : memref<1x80xi32, #tpu.memory_space<vmem>> -> memref<80xi32, #tpu.memory_space<vmem>>
    %dma_start3A_29 = arith.constant 0 : i32
    %dma_start3A_30 = arith.constant 0 : i32
    %dma_start3A_31 = tpu.memref_slice %arg7[%dma_start3A_29, %dma_start3A_30] : memref<10000x16xf32, #tpu.memory_space<vmem_shared>> -> memref<10000x16xf32, #tpu.memory_space<vmem_shared>>
    tpu.enqueue_indirect_dma source(%arg5 : memref<80x16xf32, #tpu.memory_space<vmem>>) target(%dma_start3A_31 : memref<10000x16xf32, #tpu.memory_space<vmem_shared>>) offsets(%dma_start3A_28 : memref<80xi32, #tpu.memory_space<vmem>>) semaphore(%arg8 : memref<!tpu.dma_semaphore, #tpu.memory_space<semaphore_mem>>) {add = true}
    %dma_start3A_32 = arith.constant 3 : i32
    %dma_start3A_33 = arith.constant 0 : i32
    %dma_start3A_34 = tpu.memref_slice %arg4[%dma_start3A_32, %dma_start3A_33] : memref<125x80xi32, #tpu.memory_space<vmem>> -> memref<1x80xi32, #tpu.memory_space<vmem>>
    %dma_start3A_35 = tpu.memref_squeeze %dma_start3A_34 : memref<1x80xi32, #tpu.memory_space<vmem>> -> memref<80xi32, #tpu.memory_space<vmem>>
    %dma_start3A_36 = arith.constant 0 : i32
    %dma_start3A_37 = arith.constant 0 : i32
    %dma_start3A_38 = tpu.memref_slice %arg7[%dma_start3A_36, %dma_start3A_37] : memref<10000x16xf32, #tpu.memory_space<vmem_shared>> -> memref<10000x16xf32, #tpu.memory_space<vmem_shared>>
    tpu.enqueue_indirect_dma source(%arg5 : memref<80x16xf32, #tpu.memory_space<vmem>>) target(%dma_start3A_38 : memref<10000x16xf32, #tpu.memory_space<vmem_shared>>) offsets(%dma_start3A_35 : memref<80xi32, #tpu.memory_space<vmem>>) semaphore(%arg8 : memref<!tpu.dma_semaphore, #tpu.memory_space<semaphore_mem>>) {add = true}
    %scan3A_39 = arith.constant 0 : i32
    %scan3A_40 = arith.constant 121 : i32
    %scan3A_41 = arith.addi %scan3A_39, %scan3A_40 : i32
    %scan3A_42 = arith.constant 1 : i32
    scf.for %scan3A_74 = %scan3A_39 to %scan3A_41 step %scan3A_42  : i32 {
      %dma_wait3A_75 = arith.constant 0 : i32
      %dma_wait3A_76 = tpu.memref_slice %arg4[%scan3A_74, %dma_wait3A_75] : memref<125x80xi32, #tpu.memory_space<vmem>> -> memref<1x80xi32, #tpu.memory_space<vmem>>
      %dma_wait3A_77 = tpu.memref_squeeze %dma_wait3A_76 : memref<1x80xi32, #tpu.memory_space<vmem>> -> memref<80xi32, #tpu.memory_space<vmem>>
      %dma_wait3A_78 = arith.constant 0 : i32
      %dma_wait3A_79 = arith.constant 0 : i32
      %dma_wait3A_80 = tpu.memref_slice %arg7[%dma_wait3A_78, %dma_wait3A_79] : memref<10000x16xf32, #tpu.memory_space<vmem_shared>> -> memref<10000x16xf32, #tpu.memory_space<vmem_shared>>
      tpu.wait_indirect_dma semaphore(%arg8 : memref<!tpu.dma_semaphore, #tpu.memory_space<semaphore_mem>>) src(%arg5 : memref<80x16xf32, #tpu.memory_space<vmem>>) dst(%dma_wait3A_80 : memref<10000x16xf32, #tpu.memory_space<vmem_shared>>)
      %add3A_81 = arith.constant 4 : i32
      %add3A_82 = arith.addi %scan3A_74, %add3A_81 : i32
      %dma_start3A_83 = arith.constant 0 : i32
      %dma_start3A_84 = tpu.memref_slice %arg4[%add3A_82, %dma_start3A_83] : memref<125x80xi32, #tpu.memory_space<vmem>> -> memref<1x80xi32, #tpu.memory_space<vmem>>
      %dma_start3A_85 = tpu.memref_squeeze %dma_start3A_84 : memref<1x80xi32, #tpu.memory_space<vmem>> -> memref<80xi32, #tpu.memory_space<vmem>>
      %dma_start3A_86 = arith.constant 0 : i32
      %dma_start3A_87 = arith.constant 0 : i32
      %dma_start3A_88 = tpu.memref_slice %arg7[%dma_start3A_86, %dma_start3A_87] : memref<10000x16xf32, #tpu.memory_space<vmem_shared>> -> memref<10000x16xf32, #tpu.memory_space<vmem_shared>>
      tpu.enqueue_indirect_dma source(%arg5 : memref<80x16xf32, #tpu.memory_space<vmem>>) target(%dma_start3A_88 : memref<10000x16xf32, #tpu.memory_space<vmem_shared>>) offsets(%dma_start3A_85 : memref<80xi32, #tpu.memory_space<vmem>>) semaphore(%arg8 : memref<!tpu.dma_semaphore, #tpu.memory_space<semaphore_mem>>) {add = true}
    }
    %scan3A_43 = arith.constant 121 : i32
    %dma_wait3A = arith.constant 0 : i32
    %dma_wait3A_44 = arith.constant 0 : i32
    %dma_wait3A_45 = tpu.memref_slice %arg4[%dma_wait3A, %dma_wait3A_44] : memref<125x80xi32, #tpu.memory_space<vmem>> -> memref<1x80xi32, #tpu.memory_space<vmem>>
    %dma_wait3A_46 = tpu.memref_squeeze %dma_wait3A_45 : memref<1x80xi32, #tpu.memory_space<vmem>> -> memref<80xi32, #tpu.memory_space<vmem>>
    %dma_wait3A_47 = arith.constant 0 : i32
    %dma_wait3A_48 = arith.constant 0 : i32
    %dma_wait3A_49 = tpu.memref_slice %arg7[%dma_wait3A_47, %dma_wait3A_48] : memref<10000x16xf32, #tpu.memory_space<vmem_shared>> -> memref<10000x16xf32, #tpu.memory_space<vmem_shared>>
    tpu.wait_indirect_dma semaphore(%arg8 : memref<!tpu.dma_semaphore, #tpu.memory_space<semaphore_mem>>) src(%arg5 : memref<80x16xf32, #tpu.memory_space<vmem>>) dst(%dma_wait3A_49 : memref<10000x16xf32, #tpu.memory_space<vmem_shared>>)
    %dma_wait3A_50 = arith.constant 0 : i32
    %dma_wait3A_51 = arith.constant 0 : i32
    %dma_wait3A_52 = tpu.memref_slice %arg4[%dma_wait3A_50, %dma_wait3A_51] : memref<125x80xi32, #tpu.memory_space<vmem>> -> memref<1x80xi32, #tpu.memory_space<vmem>>
    %dma_wait3A_53 = tpu.memref_squeeze %dma_wait3A_52 : memref<1x80xi32, #tpu.memory_space<vmem>> -> memref<80xi32, #tpu.memory_space<vmem>>
    %dma_wait3A_54 = arith.constant 0 : i32
    %dma_wait3A_55 = arith.constant 0 : i32
    %dma_wait3A_56 = tpu.memref_slice %arg7[%dma_wait3A_54, %dma_wait3A_55] : memref<10000x16xf32, #tpu.memory_space<vmem_shared>> -> memref<10000x16xf32, #tpu.memory_space<vmem_shared>>
    tpu.wait_indirect_dma semaphore(%arg8 : memref<!tpu.dma_semaphore, #tpu.memory_space<semaphore_mem>>) src(%arg5 : memref<80x16xf32, #tpu.memory_space<vmem>>) dst(%dma_wait3A_56 : memref<10000x16xf32, #tpu.memory_space<vmem_shared>>)
    %dma_wait3A_57 = arith.constant 0 : i32
    %dma_wait3A_58 = arith.constant 0 : i32
    %dma_wait3A_59 = tpu.memref_slice %arg4[%dma_wait3A_57, %dma_wait3A_58] : memref<125x80xi32, #tpu.memory_space<vmem>> -> memref<1x80xi32, #tpu.memory_space<vmem>>
    %dma_wait3A_60 = tpu.memref_squeeze %dma_wait3A_59 : memref<1x80xi32, #tpu.memory_space<vmem>> -> memref<80xi32, #tpu.memory_space<vmem>>
    %dma_wait3A_61 = arith.constant 0 : i32
    %dma_wait3A_62 = arith.constant 0 : i32
    %dma_wait3A_63 = tpu.memref_slice %arg7[%dma_wait3A_61, %dma_wait3A_62] : memref<10000x16xf32, #tpu.memory_space<vmem_shared>> -> memref<10000x16xf32, #tpu.memory_space<vmem_shared>>
    tpu.wait_indirect_dma semaphore(%arg8 : memref<!tpu.dma_semaphore, #tpu.memory_space<semaphore_mem>>) src(%arg5 : memref<80x16xf32, #tpu.memory_space<vmem>>) dst(%dma_wait3A_63 : memref<10000x16xf32, #tpu.memory_space<vmem_shared>>)
    %dma_wait3A_64 = arith.constant 0 : i32
    %dma_wait3A_65 = arith.constant 0 : i32
    %dma_wait3A_66 = tpu.memref_slice %arg4[%dma_wait3A_64, %dma_wait3A_65] : memref<125x80xi32, #tpu.memory_space<vmem>> -> memref<1x80xi32, #tpu.memory_space<vmem>>
    %dma_wait3A_67 = tpu.memref_squeeze %dma_wait3A_66 : memref<1x80xi32, #tpu.memory_space<vmem>> -> memref<80xi32, #tpu.memory_space<vmem>>
    %dma_wait3A_68 = arith.constant 0 : i32
    %dma_wait3A_69 = arith.constant 0 : i32
    %dma_wait3A_70 = tpu.memref_slice %arg7[%dma_wait3A_68, %dma_wait3A_69] : memref<10000x16xf32, #tpu.memory_space<vmem_shared>> -> memref<10000x16xf32, #tpu.memory_space<vmem_shared>>
    tpu.wait_indirect_dma semaphore(%arg8 : memref<!tpu.dma_semaphore, #tpu.memory_space<semaphore_mem>>) src(%arg5 : memref<80x16xf32, #tpu.memory_space<vmem>>) dst(%dma_wait3A_70 : memref<10000x16xf32, #tpu.memory_space<vmem_shared>>)
    %barrier3A_71 = arith.constant 0 : index
    tpu.barrier barrier_id(%barrier3A_71)
    %mul3A_72 = arith.constant 625 : i32
    %mul3A_73 = arith.muli %arg1, %mul3A_72 : i32
    "tpu.region"() ({
      %run_scoped3A_74 = tpu.sem_alloc : memref<!tpu.dma_semaphore, #tpu.memory_space<semaphore_mem>>
      %dma_start3A_75 = arith.constant 0 : i32
      %dma_start3A_76 = tpu.memref_slice %arg7[%mul3A_73, %dma_start3A_75] : memref<10000x16xf32, #tpu.memory_space<vmem_shared>> -> memref<625x16xf32, #tpu.memory_space<vmem_shared>>
      %dma_start3A_77 = arith.constant 0 : i32
      %dma_start3A_78 = tpu.memref_slice %arg7[%mul3A_73, %dma_start3A_77] : memref<10000x16xf32, #tpu.memory_space<vmem_shared>> -> memref<625x16xf32, #tpu.memory_space<vmem_shared>>
      tpu.enqueue_dma source(%dma_start3A_78 : memref<625x16xf32, #tpu.memory_space<vmem_shared>>) target(%arg6 : memref<625x16xf32, #tpu.memory_space<vmem>>) target_semaphore(%run_scoped3A_74 : memref<!tpu.dma_semaphore, #tpu.memory_space<semaphore_mem>>)
      %dma_wait3A_79 = arith.constant 0 : i32
      %dma_wait3A_80 = tpu.memref_slice %arg7[%mul3A_73, %dma_wait3A_79] : memref<10000x16xf32, #tpu.memory_space<vmem_shared>> -> memref<625x16xf32, #tpu.memory_space<vmem_shared>>
      %dma_wait3A_81 = arith.constant 0 : i32
      %dma_wait3A_82 = tpu.memref_slice %arg7[%mul3A_73, %dma_wait3A_81] : memref<10000x16xf32, #tpu.memory_space<vmem_shared>> -> memref<625x16xf32, #tpu.memory_space<vmem_shared>>
      tpu.wait_dma2 semaphore(%run_scoped3A_74 : memref<!tpu.dma_semaphore, #tpu.memory_space<semaphore_mem>>) src(%dma_wait3A_82 : memref<625x16xf32, #tpu.memory_space<vmem_shared>>) dst(%arg6 : memref<625x16xf32, #tpu.memory_space<vmem>>)
      tpu.yield
    }) : () -> ()
    "tpu.region"() ({
      %run_scoped3A_74 = tpu.sem_alloc : memref<!tpu.dma_semaphore, #tpu.memory_space<semaphore_mem>>
      %dma_start3A_75 = arith.constant 0 : i32
      %dma_start3A_76 = arith.constant 0 : i32
      %dma_start3A_77 = tpu.memref_slice %arg3[%arg0, %arg1, %dma_start3A_75, %dma_start3A_76] : memref<2x16x625x16xf32, #tpu.memory_space<hbm>> -> memref<1x1x625x16xf32, #tpu.memory_space<hbm>>
      %dma_start3A_78 = tpu.memref_squeeze %dma_start3A_77 : memref<1x1x625x16xf32, #tpu.memory_space<hbm>> -> memref<625x16xf32, #tpu.memory_space<hbm>>
      %dma_start3A_79 = arith.constant 0 : i32
      %dma_start3A_80 = arith.constant 0 : i32
      %dma_start3A_81 = tpu.memref_slice %arg3[%arg0, %arg1, %dma_start3A_79, %dma_start3A_80] : memref<2x16x625x16xf32, #tpu.memory_space<hbm>> -> memref<1x1x625x16xf32, #tpu.memory_space<hbm>>
      %dma_start3A_82 = tpu.memref_squeeze %dma_start3A_81 : memref<1x1x625x16xf32, #tpu.memory_space<hbm>> -> memref<625x16xf32, #tpu.memory_space<hbm>>
      tpu.enqueue_dma source(%arg6 : memref<625x16xf32, #tpu.memory_space<vmem>>) target(%dma_start3A_82 : memref<625x16xf32, #tpu.memory_space<hbm>>) target_semaphore(%run_scoped3A_74 : memref<!tpu.dma_semaphore, #tpu.memory_space<semaphore_mem>>)
      %dma_wait3A_83 = arith.constant 0 : i32
      %dma_wait3A_84 = arith.constant 0 : i32
      %dma_wait3A_85 = tpu.memref_slice %arg3[%arg0, %arg1, %dma_wait3A_83, %dma_wait3A_84] : memref<2x16x625x16xf32, #tpu.memory_space<hbm>> -> memref<1x1x625x16xf32, #tpu.memory_space<hbm>>
      %dma_wait3A_86 = tpu.memref_squeeze %dma_wait3A_85 : memref<1x1x625x16xf32, #tpu.memory_space<hbm>> -> memref<625x16xf32, #tpu.memory_space<hbm>>
      %dma_wait3A_87 = arith.constant 0 : i32
      %dma_wait3A_88 = arith.constant 0 : i32
      %dma_wait3A_89 = tpu.memref_slice %arg3[%arg0, %arg1, %dma_wait3A_87, %dma_wait3A_88] : memref<2x16x625x16xf32, #tpu.memory_space<hbm>> -> memref<1x1x625x16xf32, #tpu.memory_space<hbm>>
      %dma_wait3A_90 = tpu.memref_squeeze %dma_wait3A_89 : memref<1x1x625x16xf32, #tpu.memory_space<hbm>> -> memref<625x16xf32, #tpu.memory_space<hbm>>
      tpu.wait_dma2 semaphore(%run_scoped3A_74 : memref<!tpu.dma_semaphore, #tpu.memory_space<semaphore_mem>>) src(%arg6 : memref<625x16xf32, #tpu.memory_space<vmem>>) dst(%dma_wait3A_90 : memref<625x16xf32, #tpu.memory_space<hbm>>)
      tpu.yield
    }) : () -> ()
    return
  }
}

#map = affine_map<(d0, d1) -> (0, 0)>
#map1 = affine_map<(d0, d1) -> (0, 0, 0, 0)>
#map2 = affine_map<(d0, d1) -> (0)>
#map3 = affine_map<(d0, d1) -> (0, 0, 0)>
module attributes {stable_mosaic.version = 14 : i64} {
  func.func @_scat2_body(%arg0: i32, %arg1: i32, %arg2: memref<10000x16xf32, #tpu.memory_space<hbm>>, %arg3: memref<2x16x625x16xf32, #tpu.memory_space<hbm>>, %arg4: memref<10000x16xf32, #tpu.memory_space<hbm>>, %arg5: memref<16xf32, #tpu.memory_space<hbm>>, %arg6: memref<2x32x125x80xi32, #tpu.memory_space<hbm>>, %arg7: memref<2x16x625x16xf32, #tpu.memory_space<hbm>>, %arg8: memref<16x625x16xf32, #tpu.memory_space<hbm>>, %arg9: memref<125x80xi32, #tpu.memory_space<vmem>>, %arg10: memref<125x80xi32, #tpu.memory_space<vmem>>, %arg11: memref<80x16xf32, #tpu.memory_space<vmem>>, %arg12: memref<80x16xf32, #tpu.memory_space<vmem>>, %arg13: memref<625x16xf32, #tpu.memory_space<vmem>>, %arg14: memref<625x16xf32, #tpu.memory_space<vmem>>, %arg15: memref<625x16xf32, #tpu.memory_space<vmem>>, %arg16: memref<625x16xf32, #tpu.memory_space<vmem>>, %arg17: memref<625x16xf32, #tpu.memory_space<vmem>>, %arg18: memref<16xf32, #tpu.memory_space<vmem>>, %arg19: memref<10000x16xf32, #tpu.memory_space<vmem_shared>>, %arg20: memref<10000x16xf32, #tpu.memory_space<vmem_shared>>, %arg21: memref<!tpu.dma_semaphore, #tpu.memory_space<semaphore_mem>>, %arg22: memref<!tpu.dma_semaphore, #tpu.memory_space<semaphore_mem>>) attributes {dimension_semantics = [#tpu.dimension_semantics<core_parallel>, #tpu.dimension_semantics<subcore_parallel>], iteration_bounds = array<i64: 2, 16>, scalar_prefetch = 0 : i64, scratch_operands = 14 : i64, tpu.core_type = #tpu.core_type<sc_vector_subcore>, window_params = [{transform_indices = #map}, {transform_indices = #map1}, {transform_indices = #map}, {transform_indices = #map2}, {transform_indices = #map1}, {transform_indices = #map1}, {transform_indices = #map3}]} {
    %mul3A = arith.constant 16 : i32
    %mul3A_0 = arith.muli %arg0, %mul3A : i32
    %add3A = arith.addi %mul3A_0, %arg1 : i32
    %scan3A = arith.constant 0 : i32
    %scan3A_1 = arith.constant 625 : i32
    %scan3A_2 = arith.addi %scan3A, %scan3A_1 : i32
    %scan3A_3 = arith.constant 1 : i32
    scf.for %scan3A_42 = %scan3A to %scan3A_2 step %scan3A_3  : i32 {
      %broadcast_in_dim3A = arith.constant 0.000000e+00 : f32
      %broadcast_in_dim3A_43 = vector.broadcast %broadcast_in_dim3A : f32 to vector<16xf32>
      %swap3A = arith.index_cast %scan3A_42 : i32 to index
      %swap3A_44 = arith.constant 0 : index
      %swap3A_45 = tpu.vector_load %arg13[%swap3A, %swap3A_44] {strides = array<i32>} : memref<625x16xf32, #tpu.memory_space<vmem>>, vector<1x16xf32>,
      %swap3A_46 = vector.shape_cast %swap3A_45 : vector<1x16xf32> to vector<16xf32>
      %swap3A_47 = vector.shape_cast %broadcast_in_dim3A_43 : vector<16xf32> to vector<1x16xf32>
      tpu.vector_store %arg13[%swap3A, %swap3A_44], %swap3A_47 {strides = array<i32>} : memref<625x16xf32, #tpu.memory_space<vmem>>, vector<1x16xf32>,
    }
    %scan3A_4 = arith.constant 625 : i32
    %mul3A_5 = arith.constant 625 : i32
    %mul3A_6 = arith.muli %arg1, %mul3A_5 : i32
    "tpu.region"() ({
      %run_scoped3A_42 = tpu.sem_alloc : memref<!tpu.dma_semaphore, #tpu.memory_space<semaphore_mem>>
      %dma_start3A_43 = arith.constant 0 : i32
      %dma_start3A_44 = tpu.memref_slice %arg19[%mul3A_6, %dma_start3A_43] : memref<10000x16xf32, #tpu.memory_space<vmem_shared>> -> memref<625x16xf32, #tpu.memory_space<vmem_shared>>
      %dma_start3A_45 = arith.constant 0 : i32
      %dma_start3A_46 = tpu.memref_slice %arg19[%mul3A_6, %dma_start3A_45] : memref<10000x16xf32, #tpu.memory_space<vmem_shared>> -> memref<625x16xf32, #tpu.memory_space<vmem_shared>>
      tpu.enqueue_dma source(%arg13 : memref<625x16xf32, #tpu.memory_space<vmem>>) target(%dma_start3A_46 : memref<625x16xf32, #tpu.memory_space<vmem_shared>>) target_semaphore(%run_scoped3A_42 : memref<!tpu.dma_semaphore, #tpu.memory_space<semaphore_mem>>)
      %dma_wait3A_47 = arith.constant 0 : i32
      %dma_wait3A_48 = tpu.memref_slice %arg19[%mul3A_6, %dma_wait3A_47] : memref<10000x16xf32, #tpu.memory_space<vmem_shared>> -> memref<625x16xf32, #tpu.memory_space<vmem_shared>>
      %dma_wait3A_49 = arith.constant 0 : i32
      %dma_wait3A_50 = tpu.memref_slice %arg19[%mul3A_6, %dma_wait3A_49] : memref<10000x16xf32, #tpu.memory_space<vmem_shared>> -> memref<625x16xf32, #tpu.memory_space<vmem_shared>>
      tpu.wait_dma2 semaphore(%run_scoped3A_42 : memref<!tpu.dma_semaphore, #tpu.memory_space<semaphore_mem>>) src(%arg13 : memref<625x16xf32, #tpu.memory_space<vmem>>) dst(%dma_wait3A_50 : memref<625x16xf32, #tpu.memory_space<vmem_shared>>)
      tpu.yield
    }) : () -> ()
    %mul3A_7 = arith.constant 625 : i32
    %mul3A_8 = arith.muli %arg1, %mul3A_7 : i32
    "tpu.region"() ({
      %run_scoped3A_42 = tpu.sem_alloc : memref<!tpu.dma_semaphore, #tpu.memory_space<semaphore_mem>>
      %dma_start3A_43 = arith.constant 0 : i32
      %dma_start3A_44 = tpu.memref_slice %arg2[%mul3A_8, %dma_start3A_43] : memref<10000x16xf32, #tpu.memory_space<hbm>> -> memref<625x16xf32, #tpu.memory_space<hbm>>
      %dma_start3A_45 = arith.constant 0 : i32
      %dma_start3A_46 = tpu.memref_slice %arg2[%mul3A_8, %dma_start3A_45] : memref<10000x16xf32, #tpu.memory_space<hbm>> -> memref<625x16xf32, #tpu.memory_space<hbm>>
      tpu.enqueue_dma source(%dma_start3A_46 : memref<625x16xf32, #tpu.memory_space<hbm>>) target(%arg14 : memref<625x16xf32, #tpu.memory_space<vmem>>) target_semaphore(%run_scoped3A_42 : memref<!tpu.dma_semaphore, #tpu.memory_space<semaphore_mem>>)
      %dma_wait3A_47 = arith.constant 0 : i32
      %dma_wait3A_48 = tpu.memref_slice %arg2[%mul3A_8, %dma_wait3A_47] : memref<10000x16xf32, #tpu.memory_space<hbm>> -> memref<625x16xf32, #tpu.memory_space<hbm>>
      %dma_wait3A_49 = arith.constant 0 : i32
      %dma_wait3A_50 = tpu.memref_slice %arg2[%mul3A_8, %dma_wait3A_49] : memref<10000x16xf32, #tpu.memory_space<hbm>> -> memref<625x16xf32, #tpu.memory_space<hbm>>
      tpu.wait_dma2 semaphore(%run_scoped3A_42 : memref<!tpu.dma_semaphore, #tpu.memory_space<semaphore_mem>>) src(%dma_wait3A_50 : memref<625x16xf32, #tpu.memory_space<hbm>>) dst(%arg14 : memref<625x16xf32, #tpu.memory_space<vmem>>)
      tpu.yield
    }) : () -> ()
    %run_scoped3A = arith.constant 0 : i32
    "tpu.region"() ({
      %run_scoped3A_42 = tpu.sem_alloc : memref<!tpu.dma_semaphore, #tpu.memory_space<semaphore_mem>>
      %dma_start3A_43 = arith.constant 0 : i32
      %dma_start3A_44 = arith.constant 0 : i32
      %dma_start3A_45 = tpu.memref_slice %arg3[%run_scoped3A, %arg1, %dma_start3A_43, %dma_start3A_44] : memref<2x16x625x16xf32, #tpu.memory_space<hbm>> -> memref<1x1x625x16xf32, #tpu.memory_space<hbm>>
      %dma_start3A_46 = tpu.memref_squeeze %dma_start3A_45 : memref<1x1x625x16xf32, #tpu.memory_space<hbm>> -> memref<625x16xf32, #tpu.memory_space<hbm>>
      %dma_start3A_47 = arith.constant 0 : i32
      %dma_start3A_48 = arith.constant 0 : i32
      %dma_start3A_49 = tpu.memref_slice %arg3[%run_scoped3A, %arg1, %dma_start3A_47, %dma_start3A_48] : memref<2x16x625x16xf32, #tpu.memory_space<hbm>> -> memref<1x1x625x16xf32, #tpu.memory_space<hbm>>
      %dma_start3A_50 = tpu.memref_squeeze %dma_start3A_49 : memref<1x1x625x16xf32, #tpu.memory_space<hbm>> -> memref<625x16xf32, #tpu.memory_space<hbm>>
      tpu.enqueue_dma source(%dma_start3A_50 : memref<625x16xf32, #tpu.memory_space<hbm>>) target(%arg15 : memref<625x16xf32, #tpu.memory_space<vmem>>) target_semaphore(%run_scoped3A_42 : memref<!tpu.dma_semaphore, #tpu.memory_space<semaphore_mem>>)
      %dma_wait3A_51 = arith.constant 0 : i32
      %dma_wait3A_52 = arith.constant 0 : i32
      %dma_wait3A_53 = tpu.memref_slice %arg3[%run_scoped3A, %arg1, %dma_wait3A_51, %dma_wait3A_52] : memref<2x16x625x16xf32, #tpu.memory_space<hbm>> -> memref<1x1x625x16xf32, #tpu.memory_space<hbm>>
      %dma_wait3A_54 = tpu.memref_squeeze %dma_wait3A_53 : memref<1x1x625x16xf32, #tpu.memory_space<hbm>> -> memref<625x16xf32, #tpu.memory_space<hbm>>
      %dma_wait3A_55 = arith.constant 0 : i32
      %dma_wait3A_56 = arith.constant 0 : i32
      %dma_wait3A_57 = tpu.memref_slice %arg3[%run_scoped3A, %arg1, %dma_wait3A_55, %dma_wait3A_56] : memref<2x16x625x16xf32, #tpu.memory_space<hbm>> -> memref<1x1x625x16xf32, #tpu.memory_space<hbm>>
      %dma_wait3A_58 = tpu.memref_squeeze %dma_wait3A_57 : memref<1x1x625x16xf32, #tpu.memory_space<hbm>> -> memref<625x16xf32, #tpu.memory_space<hbm>>
      tpu.wait_dma2 semaphore(%run_scoped3A_42 : memref<!tpu.dma_semaphore, #tpu.memory_space<semaphore_mem>>) src(%dma_wait3A_58 : memref<625x16xf32, #tpu.memory_space<hbm>>) dst(%arg15 : memref<625x16xf32, #tpu.memory_space<vmem>>)
      tpu.yield
    }) : () -> ()
    %run_scoped3A_9 = arith.constant 1 : i32
    "tpu.region"() ({
      %run_scoped3A_42 = tpu.sem_alloc : memref<!tpu.dma_semaphore, #tpu.memory_space<semaphore_mem>>
      %dma_start3A_43 = arith.constant 0 : i32
      %dma_start3A_44 = arith.constant 0 : i32
      %dma_start3A_45 = tpu.memref_slice %arg3[%run_scoped3A_9, %arg1, %dma_start3A_43, %dma_start3A_44] : memref<2x16x625x16xf32, #tpu.memory_space<hbm>> -> memref<1x1x625x16xf32, #tpu.memory_space<hbm>>
      %dma_start3A_46 = tpu.memref_squeeze %dma_start3A_45 : memref<1x1x625x16xf32, #tpu.memory_space<hbm>> -> memref<625x16xf32, #tpu.memory_space<hbm>>
      %dma_start3A_47 = arith.constant 0 : i32
      %dma_start3A_48 = arith.constant 0 : i32
      %dma_start3A_49 = tpu.memref_slice %arg3[%run_scoped3A_9, %arg1, %dma_start3A_47, %dma_start3A_48] : memref<2x16x625x16xf32, #tpu.memory_space<hbm>> -> memref<1x1x625x16xf32, #tpu.memory_space<hbm>>
      %dma_start3A_50 = tpu.memref_squeeze %dma_start3A_49 : memref<1x1x625x16xf32, #tpu.memory_space<hbm>> -> memref<625x16xf32, #tpu.memory_space<hbm>>
      tpu.enqueue_dma source(%dma_start3A_50 : memref<625x16xf32, #tpu.memory_space<hbm>>) target(%arg16 : memref<625x16xf32, #tpu.memory_space<vmem>>) target_semaphore(%run_scoped3A_42 : memref<!tpu.dma_semaphore, #tpu.memory_space<semaphore_mem>>)
      %dma_wait3A_51 = arith.constant 0 : i32
      %dma_wait3A_52 = arith.constant 0 : i32
      %dma_wait3A_53 = tpu.memref_slice %arg3[%run_scoped3A_9, %arg1, %dma_wait3A_51, %dma_wait3A_52] : memref<2x16x625x16xf32, #tpu.memory_space<hbm>> -> memref<1x1x625x16xf32, #tpu.memory_space<hbm>>
      %dma_wait3A_54 = tpu.memref_squeeze %dma_wait3A_53 : memref<1x1x625x16xf32, #tpu.memory_space<hbm>> -> memref<625x16xf32, #tpu.memory_space<hbm>>
      %dma_wait3A_55 = arith.constant 0 : i32
      %dma_wait3A_56 = arith.constant 0 : i32
      %dma_wait3A_57 = tpu.memref_slice %arg3[%run_scoped3A_9, %arg1, %dma_wait3A_55, %dma_wait3A_56] : memref<2x16x625x16xf32, #tpu.memory_space<hbm>> -> memref<1x1x625x16xf32, #tpu.memory_space<hbm>>
      %dma_wait3A_58 = tpu.memref_squeeze %dma_wait3A_57 : memref<1x1x625x16xf32, #tpu.memory_space<hbm>> -> memref<625x16xf32, #tpu.memory_space<hbm>>
      tpu.wait_dma2 semaphore(%run_scoped3A_42 : memref<!tpu.dma_semaphore, #tpu.memory_space<semaphore_mem>>) src(%dma_wait3A_58 : memref<625x16xf32, #tpu.memory_space<hbm>>) dst(%arg16 : memref<625x16xf32, #tpu.memory_space<vmem>>)
      tpu.yield
    }) : () -> ()
    "tpu.region"() ({
      %run_scoped3A_42 = tpu.sem_alloc : memref<!tpu.dma_semaphore, #tpu.memory_space<semaphore_mem>>
      %dma_start3A_43 = arith.constant 0 : i32
      %dma_start3A_44 = tpu.memref_slice %arg4[%mul3A_8, %dma_start3A_43] : memref<10000x16xf32, #tpu.memory_space<hbm>> -> memref<625x16xf32, #tpu.memory_space<hbm>>
      %dma_start3A_45 = arith.constant 0 : i32
      %dma_start3A_46 = tpu.memref_slice %arg4[%mul3A_8, %dma_start3A_45] : memref<10000x16xf32, #tpu.memory_space<hbm>> -> memref<625x16xf32, #tpu.memory_space<hbm>>
      tpu.enqueue_dma source(%dma_start3A_46 : memref<625x16xf32, #tpu.memory_space<hbm>>) target(%arg17 : memref<625x16xf32, #tpu.memory_space<vmem>>) target_semaphore(%run_scoped3A_42 : memref<!tpu.dma_semaphore, #tpu.memory_space<semaphore_mem>>)
      %dma_wait3A_47 = arith.constant 0 : i32
      %dma_wait3A_48 = tpu.memref_slice %arg4[%mul3A_8, %dma_wait3A_47] : memref<10000x16xf32, #tpu.memory_space<hbm>> -> memref<625x16xf32, #tpu.memory_space<hbm>>
      %dma_wait3A_49 = arith.constant 0 : i32
      %dma_wait3A_50 = tpu.memref_slice %arg4[%mul3A_8, %dma_wait3A_49] : memref<10000x16xf32, #tpu.memory_space<hbm>> -> memref<625x16xf32, #tpu.memory_space<hbm>>
      tpu.wait_dma2 semaphore(%run_scoped3A_42 : memref<!tpu.dma_semaphore, #tpu.memory_space<semaphore_mem>>) src(%dma_wait3A_50 : memref<625x16xf32, #tpu.memory_space<hbm>>) dst(%arg17 : memref<625x16xf32, #tpu.memory_space<vmem>>)
      tpu.yield
    }) : () -> ()
    "tpu.region"() ({
      %run_scoped3A_42 = tpu.sem_alloc : memref<!tpu.dma_semaphore, #tpu.memory_space<semaphore_mem>>
      tpu.enqueue_dma source(%arg5 : memref<16xf32, #tpu.memory_space<hbm>>) target(%arg18 : memref<16xf32, #tpu.memory_space<vmem>>) target_semaphore(%run_scoped3A_42 : memref<!tpu.dma_semaphore, #tpu.memory_space<semaphore_mem>>)
      tpu.wait_dma2 semaphore(%run_scoped3A_42 : memref<!tpu.dma_semaphore, #tpu.memory_space<semaphore_mem>>) src(%arg5 : memref<16xf32, #tpu.memory_space<hbm>>) dst(%arg18 : memref<16xf32, #tpu.memory_space<vmem>>)
      tpu.yield
    }) : () -> ()
    %run_scoped3A_10 = arith.constant 0 : i32
    "tpu.region"() ({
      %run_scoped3A_42 = tpu.sem_alloc : memref<!tpu.dma_semaphore, #tpu.memory_space<semaphore_mem>>
      %dma_start3A_43 = arith.constant 0 : i32
      %dma_start3A_44 = arith.constant 0 : i32
      %dma_start3A_45 = tpu.memref_slice %arg6[%run_scoped3A_10, %add3A, %dma_start3A_43, %dma_start3A_44] : memref<2x32x125x80xi32, #tpu.memory_space<hbm>> -> memref<1x1x125x80xi32, #tpu.memory_space<hbm>>
      %dma_start3A_46 = tpu.memref_squeeze %dma_start3A_45 : memref<1x1x125x80xi32, #tpu.memory_space<hbm>> -> memref<125x80xi32, #tpu.memory_space<hbm>>
      %dma_start3A_47 = arith.constant 0 : i32
      %dma_start3A_48 = arith.constant 0 : i32
      %dma_start3A_49 = tpu.memref_slice %arg6[%run_scoped3A_10, %add3A, %dma_start3A_47, %dma_start3A_48] : memref<2x32x125x80xi32, #tpu.memory_space<hbm>> -> memref<1x1x125x80xi32, #tpu.memory_space<hbm>>
      %dma_start3A_50 = tpu.memref_squeeze %dma_start3A_49 : memref<1x1x125x80xi32, #tpu.memory_space<hbm>> -> memref<125x80xi32, #tpu.memory_space<hbm>>
      tpu.enqueue_dma source(%dma_start3A_50 : memref<125x80xi32, #tpu.memory_space<hbm>>) target(%arg9 : memref<125x80xi32, #tpu.memory_space<vmem>>) target_semaphore(%run_scoped3A_42 : memref<!tpu.dma_semaphore, #tpu.memory_space<semaphore_mem>>)
      %dma_wait3A_51 = arith.constant 0 : i32
      %dma_wait3A_52 = arith.constant 0 : i32
      %dma_wait3A_53 = tpu.memref_slice %arg6[%run_scoped3A_10, %add3A, %dma_wait3A_51, %dma_wait3A_52] : memref<2x32x125x80xi32, #tpu.memory_space<hbm>> -> memref<1x1x125x80xi32, #tpu.memory_space<hbm>>
      %dma_wait3A_54 = tpu.memref_squeeze %dma_wait3A_53 : memref<1x1x125x80xi32, #tpu.memory_space<hbm>> -> memref<125x80xi32, #tpu.memory_space<hbm>>
      %dma_wait3A_55 = arith.constant 0 : i32
      %dma_wait3A_56 = arith.constant 0 : i32
      %dma_wait3A_57 = tpu.memref_slice %arg6[%run_scoped3A_10, %add3A, %dma_wait3A_55, %dma_wait3A_56] : memref<2x32x125x80xi32, #tpu.memory_space<hbm>> -> memref<1x1x125x80xi32, #tpu.memory_space<hbm>>
      %dma_wait3A_58 = tpu.memref_squeeze %dma_wait3A_57 : memref<1x1x125x80xi32, #tpu.memory_space<hbm>> -> memref<125x80xi32, #tpu.memory_space<hbm>>
      tpu.wait_dma2 semaphore(%run_scoped3A_42 : memref<!tpu.dma_semaphore, #tpu.memory_space<semaphore_mem>>) src(%dma_wait3A_58 : memref<125x80xi32, #tpu.memory_space<hbm>>) dst(%arg9 : memref<125x80xi32, #tpu.memory_space<vmem>>)
      tpu.yield
    }) : () -> ()
    %run_scoped3A_11 = arith.constant 1 : i32
    "tpu.region"() ({
      %run_scoped3A_42 = tpu.sem_alloc : memref<!tpu.dma_semaphore, #tpu.memory_space<semaphore_mem>>
      %dma_start3A_43 = arith.constant 0 : i32
      %dma_start3A_44 = arith.constant 0 : i32
      %dma_start3A_45 = tpu.memref_slice %arg6[%run_scoped3A_11, %add3A, %dma_start3A_43, %dma_start3A_44] : memref<2x32x125x80xi32, #tpu.memory_space<hbm>> -> memref<1x1x125x80xi32, #tpu.memory_space<hbm>>
      %dma_start3A_46 = tpu.memref_squeeze %dma_start3A_45 : memref<1x1x125x80xi32, #tpu.memory_space<hbm>> -> memref<125x80xi32, #tpu.memory_space<hbm>>
      %dma_start3A_47 = arith.constant 0 : i32
      %dma_start3A_48 = arith.constant 0 : i32
      %dma_start3A_49 = tpu.memref_slice %arg6[%run_scoped3A_11, %add3A, %dma_start3A_47, %dma_start3A_48] : memref<2x32x125x80xi32, #tpu.memory_space<hbm>> -> memref<1x1x125x80xi32, #tpu.memory_space<hbm>>
      %dma_start3A_50 = tpu.memref_squeeze %dma_start3A_49 : memref<1x1x125x80xi32, #tpu.memory_space<hbm>> -> memref<125x80xi32, #tpu.memory_space<hbm>>
      tpu.enqueue_dma source(%dma_start3A_50 : memref<125x80xi32, #tpu.memory_space<hbm>>) target(%arg10 : memref<125x80xi32, #tpu.memory_space<vmem>>) target_semaphore(%run_scoped3A_42 : memref<!tpu.dma_semaphore, #tpu.memory_space<semaphore_mem>>)
      %dma_wait3A_51 = arith.constant 0 : i32
      %dma_wait3A_52 = arith.constant 0 : i32
      %dma_wait3A_53 = tpu.memref_slice %arg6[%run_scoped3A_11, %add3A, %dma_wait3A_51, %dma_wait3A_52] : memref<2x32x125x80xi32, #tpu.memory_space<hbm>> -> memref<1x1x125x80xi32, #tpu.memory_space<hbm>>
      %dma_wait3A_54 = tpu.memref_squeeze %dma_wait3A_53 : memref<1x1x125x80xi32, #tpu.memory_space<hbm>> -> memref<125x80xi32, #tpu.memory_space<hbm>>
      %dma_wait3A_55 = arith.constant 0 : i32
      %dma_wait3A_56 = arith.constant 0 : i32
      %dma_wait3A_57 = tpu.memref_slice %arg6[%run_scoped3A_11, %add3A, %dma_wait3A_55, %dma_wait3A_56] : memref<2x32x125x80xi32, #tpu.memory_space<hbm>> -> memref<1x1x125x80xi32, #tpu.memory_space<hbm>>
      %dma_wait3A_58 = tpu.memref_squeeze %dma_wait3A_57 : memref<1x1x125x80xi32, #tpu.memory_space<hbm>> -> memref<125x80xi32, #tpu.memory_space<hbm>>
      tpu.wait_dma2 semaphore(%run_scoped3A_42 : memref<!tpu.dma_semaphore, #tpu.memory_space<semaphore_mem>>) src(%dma_wait3A_58 : memref<125x80xi32, #tpu.memory_space<hbm>>) dst(%arg10 : memref<125x80xi32, #tpu.memory_space<vmem>>)
      tpu.yield
    }) : () -> ()
    %get3A = arith.constant 0 : index
    %get3A_12 = tpu.vector_load %arg18[%get3A] {strides = array<i32>} : memref<16xf32, #tpu.memory_space<vmem>>, vector<16xf32>,
    %get3A_13 = vector.shape_cast %get3A_12 : vector<16xf32> to vector<16xf32>
    %scan3A_14 = arith.constant 0 : i32
    %scan3A_15 = arith.constant 625 : i32
    %scan3A_16 = arith.addi %scan3A_14, %scan3A_15 : i32
    %scan3A_17 = arith.constant 1 : i32
    scf.for %scan3A_42 = %scan3A_14 to %scan3A_16 step %scan3A_17  : i32 {
      %get3A_43 = arith.index_cast %scan3A_42 : i32 to index
      %get3A_44 = arith.constant 0 : index
      %get3A_45 = tpu.vector_load %arg14[%get3A_43, %get3A_44] {strides = array<i32>} : memref<625x16xf32, #tpu.memory_space<vmem>>, vector<1x16xf32>,
      %get3A_46 = vector.shape_cast %get3A_45 : vector<1x16xf32> to vector<16xf32>
      %get3A_47 = arith.index_cast %scan3A_42 : i32 to index
      %get3A_48 = arith.constant 0 : index
      %get3A_49 = tpu.vector_load %arg15[%get3A_47, %get3A_48] {strides = array<i32>} : memref<625x16xf32, #tpu.memory_space<vmem>>, vector<1x16xf32>,
      %get3A_50 = vector.shape_cast %get3A_49 : vector<1x16xf32> to vector<16xf32>
      %add3A_51 = arith.addf %get3A_46, %get3A_50 : vector<16xf32>
      %get3A_52 = arith.index_cast %scan3A_42 : i32 to index
      %get3A_53 = arith.constant 0 : index
      %get3A_54 = tpu.vector_load %arg16[%get3A_52, %get3A_53] {strides = array<i32>} : memref<625x16xf32, #tpu.memory_space<vmem>>, vector<1x16xf32>,
      %get3A_55 = vector.shape_cast %get3A_54 : vector<1x16xf32> to vector<16xf32>
      %add3A_56 = arith.addf %add3A_51, %get3A_55 : vector<16xf32>
      %get3A_57 = arith.index_cast %scan3A_42 : i32 to index
      %get3A_58 = arith.constant 0 : index
      %get3A_59 = tpu.vector_load %arg17[%get3A_57, %get3A_58] {strides = array<i32>} : memref<625x16xf32, #tpu.memory_space<vmem>>, vector<1x16xf32>,
      %get3A_60 = vector.shape_cast %get3A_59 : vector<1x16xf32> to vector<16xf32>
      %mul3A_61 = arith.mulf %get3A_60, %add3A_56 : vector<16xf32>
      %add3A_62 = arith.addf %mul3A_61, %get3A_13 : vector<16xf32>
      %max3A = arith.constant 0.000000e+00 : f32
      %max3A_63 = vector.broadcast %max3A : f32 to vector<16xf32>
      %max3A_64 = arith.maximumf %add3A_62, %max3A_63 : vector<16xf32>
      %mul3A_65 = arith.mulf %get3A_60, %max3A_64 : vector<16xf32>
      %swap3A = arith.index_cast %scan3A_42 : i32 to index
      %swap3A_66 = arith.constant 0 : index
      %swap3A_67 = tpu.vector_load %arg14[%swap3A, %swap3A_66] {strides = array<i32>} : memref<625x16xf32, #tpu.memory_space<vmem>>, vector<1x16xf32>,
      %swap3A_68 = vector.shape_cast %swap3A_67 : vector<1x16xf32> to vector<16xf32>
      %swap3A_69 = vector.shape_cast %mul3A_65 : vector<16xf32> to vector<1x16xf32>
      tpu.vector_store %arg14[%swap3A, %swap3A_66], %swap3A_69 {strides = array<i32>} : memref<625x16xf32, #tpu.memory_space<vmem>>, vector<1x16xf32>,
    }
    %scan3A_18 = arith.constant 625 : i32
    "tpu.region"() ({
      %run_scoped3A_42 = tpu.sem_alloc : memref<!tpu.dma_semaphore, #tpu.memory_space<semaphore_mem>>
      %dma_start3A_43 = arith.constant 0 : i32
      %dma_start3A_44 = tpu.memref_slice %arg20[%mul3A_8, %dma_start3A_43] : memref<10000x16xf32, #tpu.memory_space<vmem_shared>> -> memref<625x16xf32, #tpu.memory_space<vmem_shared>>
      %dma_start3A_45 = arith.constant 0 : i32
      %dma_start3A_46 = tpu.memref_slice %arg20[%mul3A_8, %dma_start3A_45] : memref<10000x16xf32, #tpu.memory_space<vmem_shared>> -> memref<625x16xf32, #tpu.memory_space<vmem_shared>>
      tpu.enqueue_dma source(%arg14 : memref<625x16xf32, #tpu.memory_space<vmem>>) target(%dma_start3A_46 : memref<625x16xf32, #tpu.memory_space<vmem_shared>>) target_semaphore(%run_scoped3A_42 : memref<!tpu.dma_semaphore, #tpu.memory_space<semaphore_mem>>)
      %dma_wait3A_47 = arith.constant 0 : i32
      %dma_wait3A_48 = tpu.memref_slice %arg20[%mul3A_8, %dma_wait3A_47] : memref<10000x16xf32, #tpu.memory_space<vmem_shared>> -> memref<625x16xf32, #tpu.memory_space<vmem_shared>>
      %dma_wait3A_49 = arith.constant 0 : i32
      %dma_wait3A_50 = tpu.memref_slice %arg20[%mul3A_8, %dma_wait3A_49] : memref<10000x16xf32, #tpu.memory_space<vmem_shared>> -> memref<625x16xf32, #tpu.memory_space<vmem_shared>>
      tpu.wait_dma2 semaphore(%run_scoped3A_42 : memref<!tpu.dma_semaphore, #tpu.memory_space<semaphore_mem>>) src(%arg14 : memref<625x16xf32, #tpu.memory_space<vmem>>) dst(%dma_wait3A_50 : memref<625x16xf32, #tpu.memory_space<vmem_shared>>)
      tpu.yield
    }) : () -> ()
    %eq3A = arith.constant 0 : i32
    %eq3A_19 = arith.cmpi eq, %arg0, %eq3A : i32
    %convert_element_type3A = arith.extui %eq3A_19 : i1 to i32
    %cond3A = arith.constant 0 : i32
    %cond3A_20 = arith.cmpi ne, %convert_element_type3A, %cond3A : i32
    scf.if %cond3A_20 {
      "tpu.region"() ({
        %run_scoped3A_42 = tpu.sem_alloc : memref<!tpu.dma_semaphore, #tpu.memory_space<semaphore_mem>>
        %dma_start3A_43 = arith.constant 0 : i32
        %dma_start3A_44 = arith.constant 0 : i32
        %dma_start3A_45 = tpu.memref_slice %arg8[%arg1, %dma_start3A_43, %dma_start3A_44] : memref<16x625x16xf32, #tpu.memory_space<hbm>> -> memref<1x625x16xf32, #tpu.memory_space<hbm>>
        %dma_start3A_46 = tpu.memref_squeeze %dma_start3A_45 : memref<1x625x16xf32, #tpu.memory_space<hbm>> -> memref<625x16xf32, #tpu.memory_space<hbm>>
        %dma_start3A_47 = arith.constant 0 : i32
        %dma_start3A_48 = arith.constant 0 : i32
        %dma_start3A_49 = tpu.memref_slice %arg8[%arg1, %dma_start3A_47, %dma_start3A_48] : memref<16x625x16xf32, #tpu.memory_space<hbm>> -> memref<1x625x16xf32, #tpu.memory_space<hbm>>
        %dma_start3A_50 = tpu.memref_squeeze %dma_start3A_49 : memref<1x625x16xf32, #tpu.memory_space<hbm>> -> memref<625x16xf32, #tpu.memory_space<hbm>>
        tpu.enqueue_dma source(%arg14 : memref<625x16xf32, #tpu.memory_space<vmem>>) target(%dma_start3A_50 : memref<625x16xf32, #tpu.memory_space<hbm>>) target_semaphore(%run_scoped3A_42 : memref<!tpu.dma_semaphore, #tpu.memory_space<semaphore_mem>>)
        %dma_wait3A_51 = arith.constant 0 : i32
        %dma_wait3A_52 = arith.constant 0 : i32
        %dma_wait3A_53 = tpu.memref_slice %arg8[%arg1, %dma_wait3A_51, %dma_wait3A_52] : memref<16x625x16xf32, #tpu.memory_space<hbm>> -> memref<1x625x16xf32, #tpu.memory_space<hbm>>
        %dma_wait3A_54 = tpu.memref_squeeze %dma_wait3A_53 : memref<1x625x16xf32, #tpu.memory_space<hbm>> -> memref<625x16xf32, #tpu.memory_space<hbm>>
        %dma_wait3A_55 = arith.constant 0 : i32
        %dma_wait3A_56 = arith.constant 0 : i32
        %dma_wait3A_57 = tpu.memref_slice %arg8[%arg1, %dma_wait3A_55, %dma_wait3A_56] : memref<16x625x16xf32, #tpu.memory_space<hbm>> -> memref<1x625x16xf32, #tpu.memory_space<hbm>>
        %dma_wait3A_58 = tpu.memref_squeeze %dma_wait3A_57 : memref<1x625x16xf32, #tpu.memory_space<hbm>> -> memref<625x16xf32, #tpu.memory_space<hbm>>
        tpu.wait_dma2 semaphore(%run_scoped3A_42 : memref<!tpu.dma_semaphore, #tpu.memory_space<semaphore_mem>>) src(%arg14 : memref<625x16xf32, #tpu.memory_space<vmem>>) dst(%dma_wait3A_58 : memref<625x16xf32, #tpu.memory_space<hbm>>)
        tpu.yield
      }) : () -> ()
    } else {
    }
    %barrier3A = arith.constant 0 : index
    tpu.barrier barrier_id(%barrier3A)
    %dma_start3A = arith.constant 0 : i32
    %dma_start3A_21 = arith.constant 0 : i32
    %dma_start3A_22 = tpu.memref_slice %arg9[%dma_start3A, %dma_start3A_21] : memref<125x80xi32, #tpu.memory_space<vmem>> -> memref<1x80xi32, #tpu.memory_space<vmem>>
    %dma_start3A_23 = tpu.memref_squeeze %dma_start3A_22 : memref<1x80xi32, #tpu.memory_space<vmem>> -> memref<80xi32, #tpu.memory_space<vmem>>
    %dma_start3A_24 = arith.constant 0 : i32
    %dma_start3A_25 = arith.constant 0 : i32
    %dma_start3A_26 = tpu.memref_slice %arg20[%dma_start3A_24, %dma_start3A_25] : memref<10000x16xf32, #tpu.memory_space<vmem_shared>> -> memref<10000x16xf32, #tpu.memory_space<vmem_shared>>
    tpu.enqueue_indirect_dma source(%dma_start3A_26 : memref<10000x16xf32, #tpu.memory_space<vmem_shared>>) target(%arg11 : memref<80x16xf32, #tpu.memory_space<vmem>>) offsets(%dma_start3A_23 : memref<80xi32, #tpu.memory_space<vmem>>) semaphore(%arg21 : memref<!tpu.dma_semaphore, #tpu.memory_space<semaphore_mem>>)
    %scan3A_27 = arith.constant 0 : i32
    %scan3A_28 = arith.constant 62 : i32
    %scan3A_29 = arith.addi %scan3A_27, %scan3A_28 : i32
    %scan3A_30 = arith.constant 1 : i32
    scf.for %scan3A_42 = %scan3A_27 to %scan3A_29 step %scan3A_30  : i32 {
      %mul3A_43 = arith.constant 2 : i32
      %mul3A_44 = arith.muli %mul3A_43, %scan3A_42 : i32
      %dma_wait3A_45 = arith.constant 0 : i32
      %dma_wait3A_46 = tpu.memref_slice %arg9[%mul3A_44, %dma_wait3A_45] : memref<125x80xi32, #tpu.memory_space<vmem>> -> memref<1x80xi32, #tpu.memory_space<vmem>>
      %dma_wait3A_47 = tpu.memref_squeeze %dma_wait3A_46 : memref<1x80xi32, #tpu.memory_space<vmem>> -> memref<80xi32, #tpu.memory_space<vmem>>
      %dma_wait3A_48 = arith.constant 0 : i32
      %dma_wait3A_49 = arith.constant 0 : i32
      %dma_wait3A_50 = tpu.memref_slice %arg20[%dma_wait3A_48, %dma_wait3A_49] : memref<10000x16xf32, #tpu.memory_space<vmem_shared>> -> memref<10000x16xf32, #tpu.memory_space<vmem_shared>>
      tpu.wait_indirect_dma semaphore(%arg21 : memref<!tpu.dma_semaphore, #tpu.memory_space<semaphore_mem>>) src(%dma_wait3A_50 : memref<10000x16xf32, #tpu.memory_space<vmem_shared>>) dst(%arg11 : memref<80x16xf32, #tpu.memory_space<vmem>>)
      %add3A_51 = arith.constant 1 : i32
      %add3A_52 = arith.addi %mul3A_44, %add3A_51 : i32
      %dma_start3A_53 = arith.constant 0 : i32
      %dma_start3A_54 = tpu.memref_slice %arg9[%add3A_52, %dma_start3A_53] : memref<125x80xi32, #tpu.memory_space<vmem>> -> memref<1x80xi32, #tpu.memory_space<vmem>>
      %dma_start3A_55 = tpu.memref_squeeze %dma_start3A_54 : memref<1x80xi32, #tpu.memory_space<vmem>> -> memref<80xi32, #tpu.memory_space<vmem>>
      %dma_start3A_56 = arith.constant 0 : i32
      %dma_start3A_57 = arith.constant 0 : i32
      %dma_start3A_58 = tpu.memref_slice %arg20[%dma_start3A_56, %dma_start3A_57] : memref<10000x16xf32, #tpu.memory_space<vmem_shared>> -> memref<10000x16xf32, #tpu.memory_space<vmem_shared>>
      tpu.enqueue_indirect_dma source(%dma_start3A_58 : memref<10000x16xf32, #tpu.memory_space<vmem_shared>>) target(%arg12 : memref<80x16xf32, #tpu.memory_space<vmem>>) offsets(%dma_start3A_55 : memref<80xi32, #tpu.memory_space<vmem>>) semaphore(%arg22 : memref<!tpu.dma_semaphore, #tpu.memory_space<semaphore_mem>>)
      "tpu.region"() ({
        %run_scoped3A_77 = tpu.sem_alloc : memref<!tpu.dma_semaphore, #tpu.memory_space<semaphore_mem>>
        %dma_start3A_78 = arith.constant 0 : i32
        %dma_start3A_79 = tpu.memref_slice %arg10[%mul3A_44, %dma_start3A_78] : memref<125x80xi32, #tpu.memory_space<vmem>> -> memref<1x80xi32, #tpu.memory_space<vmem>>
        %dma_start3A_80 = tpu.memref_squeeze %dma_start3A_79 : memref<1x80xi32, #tpu.memory_space<vmem>> -> memref<80xi32, #tpu.memory_space<vmem>>
        %dma_start3A_81 = arith.constant 0 : i32
        %dma_start3A_82 = arith.constant 0 : i32
        %dma_start3A_83 = tpu.memref_slice %arg19[%dma_start3A_81, %dma_start3A_82] : memref<10000x16xf32, #tpu.memory_space<vmem_shared>> -> memref<10000x16xf32, #tpu.memory_space<vmem_shared>>
        tpu.enqueue_indirect_dma source(%arg11 : memref<80x16xf32, #tpu.memory_space<vmem>>) target(%dma_start3A_83 : memref<10000x16xf32, #tpu.memory_space<vmem_shared>>) offsets(%dma_start3A_80 : memref<80xi32, #tpu.memory_space<vmem>>) semaphore(%run_scoped3A_77 : memref<!tpu.dma_semaphore, #tpu.memory_space<semaphore_mem>>) {add = true}
        %dma_wait3A_84 = arith.constant 0 : i32
        %dma_wait3A_85 = tpu.memref_slice %arg10[%mul3A_44, %dma_wait3A_84] : memref<125x80xi32, #tpu.memory_space<vmem>> -> memref<1x80xi32, #tpu.memory_space<vmem>>
        %dma_wait3A_86 = tpu.memref_squeeze %dma_wait3A_85 : memref<1x80xi32, #tpu.memory_space<vmem>> -> memref<80xi32, #tpu.memory_space<vmem>>
        %dma_wait3A_87 = arith.constant 0 : i32
        %dma_wait3A_88 = arith.constant 0 : i32
        %dma_wait3A_89 = tpu.memref_slice %arg19[%dma_wait3A_87, %dma_wait3A_88] : memref<10000x16xf32, #tpu.memory_space<vmem_shared>> -> memref<10000x16xf32, #tpu.memory_space<vmem_shared>>
        tpu.wait_indirect_dma semaphore(%run_scoped3A_77 : memref<!tpu.dma_semaphore, #tpu.memory_space<semaphore_mem>>) src(%arg11 : memref<80x16xf32, #tpu.memory_space<vmem>>) dst(%dma_wait3A_89 : memref<10000x16xf32, #tpu.memory_space<vmem_shared>>)
        tpu.yield
      }) : () -> ()
      %add3A_59 = arith.constant 1 : i32
      %add3A_60 = arith.addi %mul3A_44, %add3A_59 : i32
      %dma_wait3A_61 = arith.constant 0 : i32
      %dma_wait3A_62 = tpu.memref_slice %arg9[%add3A_60, %dma_wait3A_61] : memref<125x80xi32, #tpu.memory_space<vmem>> -> memref<1x80xi32, #tpu.memory_space<vmem>>
      %dma_wait3A_63 = tpu.memref_squeeze %dma_wait3A_62 : memref<1x80xi32, #tpu.memory_space<vmem>> -> memref<80xi32, #tpu.memory_space<vmem>>
      %dma_wait3A_64 = arith.constant 0 : i32
      %dma_wait3A_65 = arith.constant 0 : i32
      %dma_wait3A_66 = tpu.memref_slice %arg20[%dma_wait3A_64, %dma_wait3A_65] : memref<10000x16xf32, #tpu.memory_space<vmem_shared>> -> memref<10000x16xf32, #tpu.memory_space<vmem_shared>>
      tpu.wait_indirect_dma semaphore(%arg22 : memref<!tpu.dma_semaphore, #tpu.memory_space<semaphore_mem>>) src(%dma_wait3A_66 : memref<10000x16xf32, #tpu.memory_space<vmem_shared>>) dst(%arg12 : memref<80x16xf32, #tpu.memory_space<vmem>>)
      %add3A_67 = arith.constant 2 : i32
      %add3A_68 = arith.addi %mul3A_44, %add3A_67 : i32
      %dma_start3A_69 = arith.constant 0 : i32
      %dma_start3A_70 = tpu.memref_slice %arg9[%add3A_68, %dma_start3A_69] : memref<125x80xi32, #tpu.memory_space<vmem>> -> memref<1x80xi32, #tpu.memory_space<vmem>>
      %dma_start3A_71 = tpu.memref_squeeze %dma_start3A_70 : memref<1x80xi32, #tpu.memory_space<vmem>> -> memref<80xi32, #tpu.memory_space<vmem>>
      %dma_start3A_72 = arith.constant 0 : i32
      %dma_start3A_73 = arith.constant 0 : i32
      %dma_start3A_74 = tpu.memref_slice %arg20[%dma_start3A_72, %dma_start3A_73] : memref<10000x16xf32, #tpu.memory_space<vmem_shared>> -> memref<10000x16xf32, #tpu.memory_space<vmem_shared>>
      tpu.enqueue_indirect_dma source(%dma_start3A_74 : memref<10000x16xf32, #tpu.memory_space<vmem_shared>>) target(%arg11 : memref<80x16xf32, #tpu.memory_space<vmem>>) offsets(%dma_start3A_71 : memref<80xi32, #tpu.memory_space<vmem>>) semaphore(%arg21 : memref<!tpu.dma_semaphore, #tpu.memory_space<semaphore_mem>>)
      %add3A_75 = arith.constant 1 : i32
      %add3A_76 = arith.addi %mul3A_44, %add3A_75 : i32
      "tpu.region"() ({
        %run_scoped3A_77 = tpu.sem_alloc : memref<!tpu.dma_semaphore, #tpu.memory_space<semaphore_mem>>
        %dma_start3A_78 = arith.constant 0 : i32
        %dma_start3A_79 = tpu.memref_slice %arg10[%add3A_76, %dma_start3A_78] : memref<125x80xi32, #tpu.memory_space<vmem>> -> memref<1x80xi32, #tpu.memory_space<vmem>>
        %dma_start3A_80 = tpu.memref_squeeze %dma_start3A_79 : memref<1x80xi32, #tpu.memory_space<vmem>> -> memref<80xi32, #tpu.memory_space<vmem>>
        %dma_start3A_81 = arith.constant 0 : i32
        %dma_start3A_82 = arith.constant 0 : i32
        %dma_start3A_83 = tpu.memref_slice %arg19[%dma_start3A_81, %dma_start3A_82] : memref<10000x16xf32, #tpu.memory_space<vmem_shared>> -> memref<10000x16xf32, #tpu.memory_space<vmem_shared>>
        tpu.enqueue_indirect_dma source(%arg12 : memref<80x16xf32, #tpu.memory_space<vmem>>) target(%dma_start3A_83 : memref<10000x16xf32, #tpu.memory_space<vmem_shared>>) offsets(%dma_start3A_80 : memref<80xi32, #tpu.memory_space<vmem>>) semaphore(%run_scoped3A_77 : memref<!tpu.dma_semaphore, #tpu.memory_space<semaphore_mem>>) {add = true}
        %dma_wait3A_84 = arith.constant 0 : i32
        %dma_wait3A_85 = tpu.memref_slice %arg10[%add3A_76, %dma_wait3A_84] : memref<125x80xi32, #tpu.memory_space<vmem>> -> memref<1x80xi32, #tpu.memory_space<vmem>>
        %dma_wait3A_86 = tpu.memref_squeeze %dma_wait3A_85 : memref<1x80xi32, #tpu.memory_space<vmem>> -> memref<80xi32, #tpu.memory_space<vmem>>
        %dma_wait3A_87 = arith.constant 0 : i32
        %dma_wait3A_88 = arith.constant 0 : i32
        %dma_wait3A_89 = tpu.memref_slice %arg19[%dma_wait3A_87, %dma_wait3A_88] : memref<10000x16xf32, #tpu.memory_space<vmem_shared>> -> memref<10000x16xf32, #tpu.memory_space<vmem_shared>>
        tpu.wait_indirect_dma semaphore(%run_scoped3A_77 : memref<!tpu.dma_semaphore, #tpu.memory_space<semaphore_mem>>) src(%arg12 : memref<80x16xf32, #tpu.memory_space<vmem>>) dst(%dma_wait3A_89 : memref<10000x16xf32, #tpu.memory_space<vmem_shared>>)
        tpu.yield
      }) : () -> ()
    }
    %scan3A_31 = arith.constant 62 : i32
    %dma_wait3A = arith.constant 124 : i32
    %dma_wait3A_32 = arith.constant 0 : i32
    %dma_wait3A_33 = tpu.memref_slice %arg9[%dma_wait3A, %dma_wait3A_32] : memref<125x80xi32, #tpu.memory_space<vmem>> -> memref<1x80xi32, #tpu.memory_space<vmem>>
    %dma_wait3A_34 = tpu.memref_squeeze %dma_wait3A_33 : memref<1x80xi32, #tpu.memory_space<vmem>> -> memref<80xi32, #tpu.memory_space<vmem>>
    %dma_wait3A_35 = arith.constant 0 : i32
    %dma_wait3A_36 = arith.constant 0 : i32
    %dma_wait3A_37 = tpu.memref_slice %arg20[%dma_wait3A_35, %dma_wait3A_36] : memref<10000x16xf32, #tpu.memory_space<vmem_shared>> -> memref<10000x16xf32, #tpu.memory_space<vmem_shared>>
    tpu.wait_indirect_dma semaphore(%arg21 : memref<!tpu.dma_semaphore, #tpu.memory_space<semaphore_mem>>) src(%dma_wait3A_37 : memref<10000x16xf32, #tpu.memory_space<vmem_shared>>) dst(%arg11 : memref<80x16xf32, #tpu.memory_space<vmem>>)
    %run_scoped3A_38 = arith.constant 124 : i32
    "tpu.region"() ({
      %run_scoped3A_42 = tpu.sem_alloc : memref<!tpu.dma_semaphore, #tpu.memory_space<semaphore_mem>>
      %dma_start3A_43 = arith.constant 0 : i32
      %dma_start3A_44 = tpu.memref_slice %arg10[%run_scoped3A_38, %dma_start3A_43] : memref<125x80xi32, #tpu.memory_space<vmem>> -> memref<1x80xi32, #tpu.memory_space<vmem>>
      %dma_start3A_45 = tpu.memref_squeeze %dma_start3A_44 : memref<1x80xi32, #tpu.memory_space<vmem>> -> memref<80xi32, #tpu.memory_space<vmem>>
      %dma_start3A_46 = arith.constant 0 : i32
      %dma_start3A_47 = arith.constant 0 : i32
      %dma_start3A_48 = tpu.memref_slice %arg19[%dma_start3A_46, %dma_start3A_47] : memref<10000x16xf32, #tpu.memory_space<vmem_shared>> -> memref<10000x16xf32, #tpu.memory_space<vmem_shared>>
      tpu.enqueue_indirect_dma source(%arg11 : memref<80x16xf32, #tpu.memory_space<vmem>>) target(%dma_start3A_48 : memref<10000x16xf32, #tpu.memory_space<vmem_shared>>) offsets(%dma_start3A_45 : memref<80xi32, #tpu.memory_space<vmem>>) semaphore(%run_scoped3A_42 : memref<!tpu.dma_semaphore, #tpu.memory_space<semaphore_mem>>) {add = true}
      %dma_wait3A_49 = arith.constant 0 : i32
      %dma_wait3A_50 = tpu.memref_slice %arg10[%run_scoped3A_38, %dma_wait3A_49] : memref<125x80xi32, #tpu.memory_space<vmem>> -> memref<1x80xi32, #tpu.memory_space<vmem>>
      %dma_wait3A_51 = tpu.memref_squeeze %dma_wait3A_50 : memref<1x80xi32, #tpu.memory_space<vmem>> -> memref<80xi32, #tpu.memory_space<vmem>>
      %dma_wait3A_52 = arith.constant 0 : i32
      %dma_wait3A_53 = arith.constant 0 : i32
      %dma_wait3A_54 = tpu.memref_slice %arg19[%dma_wait3A_52, %dma_wait3A_53] : memref<10000x16xf32, #tpu.memory_space<vmem_shared>> -> memref<10000x16xf32, #tpu.memory_space<vmem_shared>>
      tpu.wait_indirect_dma semaphore(%run_scoped3A_42 : memref<!tpu.dma_semaphore, #tpu.memory_space<semaphore_mem>>) src(%arg11 : memref<80x16xf32, #tpu.memory_space<vmem>>) dst(%dma_wait3A_54 : memref<10000x16xf32, #tpu.memory_space<vmem_shared>>)
      tpu.yield
    }) : () -> ()
    %barrier3A_39 = arith.constant 0 : index
    tpu.barrier barrier_id(%barrier3A_39)
    %mul3A_40 = arith.constant 625 : i32
    %mul3A_41 = arith.muli %arg1, %mul3A_40 : i32
    "tpu.region"() ({
      %run_scoped3A_42 = tpu.sem_alloc : memref<!tpu.dma_semaphore, #tpu.memory_space<semaphore_mem>>
      %dma_start3A_43 = arith.constant 0 : i32
      %dma_start3A_44 = tpu.memref_slice %arg19[%mul3A_41, %dma_start3A_43] : memref<10000x16xf32, #tpu.memory_space<vmem_shared>> -> memref<625x16xf32, #tpu.memory_space<vmem_shared>>
      %dma_start3A_45 = arith.constant 0 : i32
      %dma_start3A_46 = tpu.memref_slice %arg19[%mul3A_41, %dma_start3A_45] : memref<10000x16xf32, #tpu.memory_space<vmem_shared>> -> memref<625x16xf32, #tpu.memory_space<vmem_shared>>
      tpu.enqueue_dma source(%dma_start3A_46 : memref<625x16xf32, #tpu.memory_space<vmem_shared>>) target(%arg13 : memref<625x16xf32, #tpu.memory_space<vmem>>) target_semaphore(%run_scoped3A_42 : memref<!tpu.dma_semaphore, #tpu.memory_space<semaphore_mem>>)
      %dma_wait3A_47 = arith.constant 0 : i32
      %dma_wait3A_48 = tpu.memref_slice %arg19[%mul3A_41, %dma_wait3A_47] : memref<10000x16xf32, #tpu.memory_space<vmem_shared>> -> memref<625x16xf32, #tpu.memory_space<vmem_shared>>
      %dma_wait3A_49 = arith.constant 0 : i32
      %dma_wait3A_50 = tpu.memref_slice %arg19[%mul3A_41, %dma_wait3A_49] : memref<10000x16xf32, #tpu.memory_space<vmem_shared>> -> memref<625x16xf32, #tpu.memory_space<vmem_shared>>
      tpu.wait_dma2 semaphore(%run_scoped3A_42 : memref<!tpu.dma_semaphore, #tpu.memory_space<semaphore_mem>>) src(%dma_wait3A_50 : memref<625x16xf32, #tpu.memory_space<vmem_shared>>) dst(%arg13 : memref<625x16xf32, #tpu.memory_space<vmem>>)
      tpu.yield
    }) : () -> ()
    "tpu.region"() ({
      %run_scoped3A_42 = tpu.sem_alloc : memref<!tpu.dma_semaphore, #tpu.memory_space<semaphore_mem>>
      %dma_start3A_43 = arith.constant 0 : i32
      %dma_start3A_44 = arith.constant 0 : i32
      %dma_start3A_45 = tpu.memref_slice %arg7[%arg0, %arg1, %dma_start3A_43, %dma_start3A_44] : memref<2x16x625x16xf32, #tpu.memory_space<hbm>> -> memref<1x1x625x16xf32, #tpu.memory_space<hbm>>
      %dma_start3A_46 = tpu.memref_squeeze %dma_start3A_45 : memref<1x1x625x16xf32, #tpu.memory_space<hbm>> -> memref<625x16xf32, #tpu.memory_space<hbm>>
      %dma_start3A_47 = arith.constant 0 : i32
      %dma_start3A_48 = arith.constant 0 : i32
      %dma_start3A_49 = tpu.memref_slice %arg7[%arg0, %arg1, %dma_start3A_47, %dma_start3A_48] : memref<2x16x625x16xf32, #tpu.memory_space<hbm>> -> memref<1x1x625x16xf32, #tpu.memory_space<hbm>>
      %dma_start3A_50 = tpu.memref_squeeze %dma_start3A_49 : memref<1x1x625x16xf32, #tpu.memory_space<hbm>> -> memref<625x16xf32, #tpu.memory_space<hbm>>
      tpu.enqueue_dma source(%arg13 : memref<625x16xf32, #tpu.memory_space<vmem>>) target(%dma_start3A_50 : memref<625x16xf32, #tpu.memory_space<hbm>>) target_semaphore(%run_scoped3A_42 : memref<!tpu.dma_semaphore, #tpu.memory_space<semaphore_mem>>)
      %dma_wait3A_51 = arith.constant 0 : i32
      %dma_wait3A_52 = arith.constant 0 : i32
      %dma_wait3A_53 = tpu.memref_slice %arg7[%arg0, %arg1, %dma_wait3A_51, %dma_wait3A_52] : memref<2x16x625x16xf32, #tpu.memory_space<hbm>> -> memref<1x1x625x16xf32, #tpu.memory_space<hbm>>
      %dma_wait3A_54 = tpu.memref_squeeze %dma_wait3A_53 : memref<1x1x625x16xf32, #tpu.memory_space<hbm>> -> memref<625x16xf32, #tpu.memory_space<hbm>>
      %dma_wait3A_55 = arith.constant 0 : i32
      %dma_wait3A_56 = arith.constant 0 : i32
      %dma_wait3A_57 = tpu.memref_slice %arg7[%arg0, %arg1, %dma_wait3A_55, %dma_wait3A_56] : memref<2x16x625x16xf32, #tpu.memory_space<hbm>> -> memref<1x1x625x16xf32, #tpu.memory_space<hbm>>
      %dma_wait3A_58 = tpu.memref_squeeze %dma_wait3A_57 : memref<1x1x625x16xf32, #tpu.memory_space<hbm>> -> memref<625x16xf32, #tpu.memory_space<hbm>>
      tpu.wait_dma2 semaphore(%run_scoped3A_42 : memref<!tpu.dma_semaphore, #tpu.memory_space<semaphore_mem>>) src(%arg13 : memref<625x16xf32, #tpu.memory_space<vmem>>) dst(%dma_wait3A_58 : memref<625x16xf32, #tpu.memory_space<hbm>>)
      tpu.yield
    }) : () -> ()
    return
  }
}

#map = affine_map<(d0, d1) -> (0, 0)>
#map1 = affine_map<(d0, d1) -> (0, 0, 0, 0)>
module attributes {stable_mosaic.version = 14 : i64} {
  func.func @_scat_body(%arg0: i32, %arg1: i32, %arg2: memref<10000x16xf32, #tpu.memory_space<hbm>>, %arg3: memref<2x32x125x80xi32, #tpu.memory_space<hbm>>, %arg4: memref<2x16x625x16xf32, #tpu.memory_space<hbm>>, %arg5: memref<125x80xi32, #tpu.memory_space<vmem>>, %arg6: memref<125x80xi32, #tpu.memory_space<vmem>>, %arg7: memref<80x16xf32, #tpu.memory_space<vmem>>, %arg8: memref<80x16xf32, #tpu.memory_space<vmem>>, %arg9: memref<625x16xf32, #tpu.memory_space<vmem>>, %arg10: memref<10000x16xf32, #tpu.memory_space<vmem_shared>>, %arg11: memref<10000x16xf32, #tpu.memory_space<vmem_shared>>, %arg12: memref<!tpu.dma_semaphore, #tpu.memory_space<semaphore_mem>>, %arg13: memref<!tpu.dma_semaphore, #tpu.memory_space<semaphore_mem>>) attributes {dimension_semantics = [#tpu.dimension_semantics<core_parallel>, #tpu.dimension_semantics<subcore_parallel>], iteration_bounds = array<i64: 2, 16>, scalar_prefetch = 0 : i64, scratch_operands = 9 : i64, tpu.core_type = #tpu.core_type<sc_vector_subcore>, window_params = [{transform_indices = #map}, {transform_indices = #map1}, {transform_indices = #map1}]} {
    %mul3A = arith.constant 16 : i32
    %mul3A_0 = arith.muli %arg0, %mul3A : i32
    %add3A = arith.addi %mul3A_0, %arg1 : i32
    %scan3A = arith.constant 0 : i32
    %scan3A_1 = arith.constant 625 : i32
    %scan3A_2 = arith.addi %scan3A, %scan3A_1 : i32
    %scan3A_3 = arith.constant 1 : i32
    scf.for %scan3A_33 = %scan3A to %scan3A_2 step %scan3A_3  : i32 {
      %broadcast_in_dim3A = arith.constant 0.000000e+00 : f32
      %broadcast_in_dim3A_34 = vector.broadcast %broadcast_in_dim3A : f32 to vector<16xf32>
      %swap3A = arith.index_cast %scan3A_33 : i32 to index
      %swap3A_35 = arith.constant 0 : index
      %swap3A_36 = tpu.vector_load %arg9[%swap3A, %swap3A_35] {strides = array<i32>} : memref<625x16xf32, #tpu.memory_space<vmem>>, vector<1x16xf32>,
      %swap3A_37 = vector.shape_cast %swap3A_36 : vector<1x16xf32> to vector<16xf32>
      %swap3A_38 = vector.shape_cast %broadcast_in_dim3A_34 : vector<16xf32> to vector<1x16xf32>
      tpu.vector_store %arg9[%swap3A, %swap3A_35], %swap3A_38 {strides = array<i32>} : memref<625x16xf32, #tpu.memory_space<vmem>>, vector<1x16xf32>,
    }
    %scan3A_4 = arith.constant 625 : i32
    %mul3A_5 = arith.constant 625 : i32
    %mul3A_6 = arith.muli %arg1, %mul3A_5 : i32
    "tpu.region"() ({
      %run_scoped3A_33 = tpu.sem_alloc : memref<!tpu.dma_semaphore, #tpu.memory_space<semaphore_mem>>
      %dma_start3A_34 = arith.constant 0 : i32
      %dma_start3A_35 = tpu.memref_slice %arg10[%mul3A_6, %dma_start3A_34] : memref<10000x16xf32, #tpu.memory_space<vmem_shared>> -> memref<625x16xf32, #tpu.memory_space<vmem_shared>>
      %dma_start3A_36 = arith.constant 0 : i32
      %dma_start3A_37 = tpu.memref_slice %arg10[%mul3A_6, %dma_start3A_36] : memref<10000x16xf32, #tpu.memory_space<vmem_shared>> -> memref<625x16xf32, #tpu.memory_space<vmem_shared>>
      tpu.enqueue_dma source(%arg9 : memref<625x16xf32, #tpu.memory_space<vmem>>) target(%dma_start3A_37 : memref<625x16xf32, #tpu.memory_space<vmem_shared>>) target_semaphore(%run_scoped3A_33 : memref<!tpu.dma_semaphore, #tpu.memory_space<semaphore_mem>>)
      %dma_wait3A_38 = arith.constant 0 : i32
      %dma_wait3A_39 = tpu.memref_slice %arg10[%mul3A_6, %dma_wait3A_38] : memref<10000x16xf32, #tpu.memory_space<vmem_shared>> -> memref<625x16xf32, #tpu.memory_space<vmem_shared>>
      %dma_wait3A_40 = arith.constant 0 : i32
      %dma_wait3A_41 = tpu.memref_slice %arg10[%mul3A_6, %dma_wait3A_40] : memref<10000x16xf32, #tpu.memory_space<vmem_shared>> -> memref<625x16xf32, #tpu.memory_space<vmem_shared>>
      tpu.wait_dma2 semaphore(%run_scoped3A_33 : memref<!tpu.dma_semaphore, #tpu.memory_space<semaphore_mem>>) src(%arg9 : memref<625x16xf32, #tpu.memory_space<vmem>>) dst(%dma_wait3A_41 : memref<625x16xf32, #tpu.memory_space<vmem_shared>>)
      tpu.yield
    }) : () -> ()
    %mul3A_7 = arith.constant 625 : i32
    %mul3A_8 = arith.muli %arg1, %mul3A_7 : i32
    %mul3A_9 = arith.constant 625 : i32
    %mul3A_10 = arith.muli %arg1, %mul3A_9 : i32
    "tpu.region"() ({
      %run_scoped3A_33 = tpu.sem_alloc : memref<!tpu.dma_semaphore, #tpu.memory_space<semaphore_mem>>
      %dma_start3A_34 = arith.constant 0 : i32
      %dma_start3A_35 = tpu.memref_slice %arg11[%mul3A_10, %dma_start3A_34] : memref<10000x16xf32, #tpu.memory_space<vmem_shared>> -> memref<625x16xf32, #tpu.memory_space<vmem_shared>>
      %dma_start3A_36 = arith.constant 0 : i32
      %dma_start3A_37 = tpu.memref_slice %arg2[%mul3A_8, %dma_start3A_36] : memref<10000x16xf32, #tpu.memory_space<hbm>> -> memref<625x16xf32, #tpu.memory_space<hbm>>
      tpu.enqueue_dma source(%dma_start3A_37 : memref<625x16xf32, #tpu.memory_space<hbm>>) target(%dma_start3A_35 : memref<625x16xf32, #tpu.memory_space<vmem_shared>>) target_semaphore(%run_scoped3A_33 : memref<!tpu.dma_semaphore, #tpu.memory_space<semaphore_mem>>)
      %dma_wait3A_38 = arith.constant 0 : i32
      %dma_wait3A_39 = tpu.memref_slice %arg11[%mul3A_10, %dma_wait3A_38] : memref<10000x16xf32, #tpu.memory_space<vmem_shared>> -> memref<625x16xf32, #tpu.memory_space<vmem_shared>>
      %dma_wait3A_40 = arith.constant 0 : i32
      %dma_wait3A_41 = tpu.memref_slice %arg2[%mul3A_8, %dma_wait3A_40] : memref<10000x16xf32, #tpu.memory_space<hbm>> -> memref<625x16xf32, #tpu.memory_space<hbm>>
      tpu.wait_dma2 semaphore(%run_scoped3A_33 : memref<!tpu.dma_semaphore, #tpu.memory_space<semaphore_mem>>) src(%dma_wait3A_41 : memref<625x16xf32, #tpu.memory_space<hbm>>) dst(%dma_wait3A_39 : memref<625x16xf32, #tpu.memory_space<vmem_shared>>)
      tpu.yield
    }) : () -> ()
    %run_scoped3A = arith.constant 0 : i32
    "tpu.region"() ({
      %run_scoped3A_33 = tpu.sem_alloc : memref<!tpu.dma_semaphore, #tpu.memory_space<semaphore_mem>>
      %dma_start3A_34 = arith.constant 0 : i32
      %dma_start3A_35 = arith.constant 0 : i32
      %dma_start3A_36 = tpu.memref_slice %arg3[%run_scoped3A, %add3A, %dma_start3A_34, %dma_start3A_35] : memref<2x32x125x80xi32, #tpu.memory_space<hbm>> -> memref<1x1x125x80xi32, #tpu.memory_space<hbm>>
      %dma_start3A_37 = tpu.memref_squeeze %dma_start3A_36 : memref<1x1x125x80xi32, #tpu.memory_space<hbm>> -> memref<125x80xi32, #tpu.memory_space<hbm>>
      %dma_start3A_38 = arith.constant 0 : i32
      %dma_start3A_39 = arith.constant 0 : i32
      %dma_start3A_40 = tpu.memref_slice %arg3[%run_scoped3A, %add3A, %dma_start3A_38, %dma_start3A_39] : memref<2x32x125x80xi32, #tpu.memory_space<hbm>> -> memref<1x1x125x80xi32, #tpu.memory_space<hbm>>
      %dma_start3A_41 = tpu.memref_squeeze %dma_start3A_40 : memref<1x1x125x80xi32, #tpu.memory_space<hbm>> -> memref<125x80xi32, #tpu.memory_space<hbm>>
      tpu.enqueue_dma source(%dma_start3A_41 : memref<125x80xi32, #tpu.memory_space<hbm>>) target(%arg5 : memref<125x80xi32, #tpu.memory_space<vmem>>) target_semaphore(%run_scoped3A_33 : memref<!tpu.dma_semaphore, #tpu.memory_space<semaphore_mem>>)
      %dma_wait3A_42 = arith.constant 0 : i32
      %dma_wait3A_43 = arith.constant 0 : i32
      %dma_wait3A_44 = tpu.memref_slice %arg3[%run_scoped3A, %add3A, %dma_wait3A_42, %dma_wait3A_43] : memref<2x32x125x80xi32, #tpu.memory_space<hbm>> -> memref<1x1x125x80xi32, #tpu.memory_space<hbm>>
      %dma_wait3A_45 = tpu.memref_squeeze %dma_wait3A_44 : memref<1x1x125x80xi32, #tpu.memory_space<hbm>> -> memref<125x80xi32, #tpu.memory_space<hbm>>
      %dma_wait3A_46 = arith.constant 0 : i32
      %dma_wait3A_47 = arith.constant 0 : i32
      %dma_wait3A_48 = tpu.memref_slice %arg3[%run_scoped3A, %add3A, %dma_wait3A_46, %dma_wait3A_47] : memref<2x32x125x80xi32, #tpu.memory_space<hbm>> -> memref<1x1x125x80xi32, #tpu.memory_space<hbm>>
      %dma_wait3A_49 = tpu.memref_squeeze %dma_wait3A_48 : memref<1x1x125x80xi32, #tpu.memory_space<hbm>> -> memref<125x80xi32, #tpu.memory_space<hbm>>
      tpu.wait_dma2 semaphore(%run_scoped3A_33 : memref<!tpu.dma_semaphore, #tpu.memory_space<semaphore_mem>>) src(%dma_wait3A_49 : memref<125x80xi32, #tpu.memory_space<hbm>>) dst(%arg5 : memref<125x80xi32, #tpu.memory_space<vmem>>)
      tpu.yield
    }) : () -> ()
    %run_scoped3A_11 = arith.constant 1 : i32
    "tpu.region"() ({
      %run_scoped3A_33 = tpu.sem_alloc : memref<!tpu.dma_semaphore, #tpu.memory_space<semaphore_mem>>
      %dma_start3A_34 = arith.constant 0 : i32
      %dma_start3A_35 = arith.constant 0 : i32
      %dma_start3A_36 = tpu.memref_slice %arg3[%run_scoped3A_11, %add3A, %dma_start3A_34, %dma_start3A_35] : memref<2x32x125x80xi32, #tpu.memory_space<hbm>> -> memref<1x1x125x80xi32, #tpu.memory_space<hbm>>
      %dma_start3A_37 = tpu.memref_squeeze %dma_start3A_36 : memref<1x1x125x80xi32, #tpu.memory_space<hbm>> -> memref<125x80xi32, #tpu.memory_space<hbm>>
      %dma_start3A_38 = arith.constant 0 : i32
      %dma_start3A_39 = arith.constant 0 : i32
      %dma_start3A_40 = tpu.memref_slice %arg3[%run_scoped3A_11, %add3A, %dma_start3A_38, %dma_start3A_39] : memref<2x32x125x80xi32, #tpu.memory_space<hbm>> -> memref<1x1x125x80xi32, #tpu.memory_space<hbm>>
      %dma_start3A_41 = tpu.memref_squeeze %dma_start3A_40 : memref<1x1x125x80xi32, #tpu.memory_space<hbm>> -> memref<125x80xi32, #tpu.memory_space<hbm>>
      tpu.enqueue_dma source(%dma_start3A_41 : memref<125x80xi32, #tpu.memory_space<hbm>>) target(%arg6 : memref<125x80xi32, #tpu.memory_space<vmem>>) target_semaphore(%run_scoped3A_33 : memref<!tpu.dma_semaphore, #tpu.memory_space<semaphore_mem>>)
      %dma_wait3A_42 = arith.constant 0 : i32
      %dma_wait3A_43 = arith.constant 0 : i32
      %dma_wait3A_44 = tpu.memref_slice %arg3[%run_scoped3A_11, %add3A, %dma_wait3A_42, %dma_wait3A_43] : memref<2x32x125x80xi32, #tpu.memory_space<hbm>> -> memref<1x1x125x80xi32, #tpu.memory_space<hbm>>
      %dma_wait3A_45 = tpu.memref_squeeze %dma_wait3A_44 : memref<1x1x125x80xi32, #tpu.memory_space<hbm>> -> memref<125x80xi32, #tpu.memory_space<hbm>>
      %dma_wait3A_46 = arith.constant 0 : i32
      %dma_wait3A_47 = arith.constant 0 : i32
      %dma_wait3A_48 = tpu.memref_slice %arg3[%run_scoped3A_11, %add3A, %dma_wait3A_46, %dma_wait3A_47] : memref<2x32x125x80xi32, #tpu.memory_space<hbm>> -> memref<1x1x125x80xi32, #tpu.memory_space<hbm>>
      %dma_wait3A_49 = tpu.memref_squeeze %dma_wait3A_48 : memref<1x1x125x80xi32, #tpu.memory_space<hbm>> -> memref<125x80xi32, #tpu.memory_space<hbm>>
      tpu.wait_dma2 semaphore(%run_scoped3A_33 : memref<!tpu.dma_semaphore, #tpu.memory_space<semaphore_mem>>) src(%dma_wait3A_49 : memref<125x80xi32, #tpu.memory_space<hbm>>) dst(%arg6 : memref<125x80xi32, #tpu.memory_space<vmem>>)
      tpu.yield
    }) : () -> ()
    %barrier3A = arith.constant 0 : index
    tpu.barrier barrier_id(%barrier3A)
    %dma_start3A = arith.constant 0 : i32
    %dma_start3A_12 = arith.constant 0 : i32
    %dma_start3A_13 = tpu.memref_slice %arg5[%dma_start3A, %dma_start3A_12] : memref<125x80xi32, #tpu.memory_space<vmem>> -> memref<1x80xi32, #tpu.memory_space<vmem>>
    %dma_start3A_14 = tpu.memref_squeeze %dma_start3A_13 : memref<1x80xi32, #tpu.memory_space<vmem>> -> memref<80xi32, #tpu.memory_space<vmem>>
    %dma_start3A_15 = arith.constant 0 : i32
    %dma_start3A_16 = arith.constant 0 : i32
    %dma_start3A_17 = tpu.memref_slice %arg11[%dma_start3A_15, %dma_start3A_16] : memref<10000x16xf32, #tpu.memory_space<vmem_shared>> -> memref<10000x16xf32, #tpu.memory_space<vmem_shared>>
    tpu.enqueue_indirect_dma source(%dma_start3A_17 : memref<10000x16xf32, #tpu.memory_space<vmem_shared>>) target(%arg7 : memref<80x16xf32, #tpu.memory_space<vmem>>) offsets(%dma_start3A_14 : memref<80xi32, #tpu.memory_space<vmem>>) semaphore(%arg12 : memref<!tpu.dma_semaphore, #tpu.memory_space<semaphore_mem>>)
    %scan3A_18 = arith.constant 0 : i32
    %scan3A_19 = arith.constant 62 : i32
    %scan3A_20 = arith.addi %scan3A_18, %scan3A_19 : i32
    %scan3A_21 = arith.constant 1 : i32
    scf.for %scan3A_33 = %scan3A_18 to %scan3A_20 step %scan3A_21  : i32 {
      %mul3A_34 = arith.constant 2 : i32
      %mul3A_35 = arith.muli %mul3A_34, %scan3A_33 : i32
      %dma_wait3A_36 = arith.constant 0 : i32
      %dma_wait3A_37 = tpu.memref_slice %arg5[%mul3A_35, %dma_wait3A_36] : memref<125x80xi32, #tpu.memory_space<vmem>> -> memref<1x80xi32, #tpu.memory_space<vmem>>
      %dma_wait3A_38 = tpu.memref_squeeze %dma_wait3A_37 : memref<1x80xi32, #tpu.memory_space<vmem>> -> memref<80xi32, #tpu.memory_space<vmem>>
      %dma_wait3A_39 = arith.constant 0 : i32
      %dma_wait3A_40 = arith.constant 0 : i32
      %dma_wait3A_41 = tpu.memref_slice %arg11[%dma_wait3A_39, %dma_wait3A_40] : memref<10000x16xf32, #tpu.memory_space<vmem_shared>> -> memref<10000x16xf32, #tpu.memory_space<vmem_shared>>
      tpu.wait_indirect_dma semaphore(%arg12 : memref<!tpu.dma_semaphore, #tpu.memory_space<semaphore_mem>>) src(%dma_wait3A_41 : memref<10000x16xf32, #tpu.memory_space<vmem_shared>>) dst(%arg7 : memref<80x16xf32, #tpu.memory_space<vmem>>)
      %add3A_42 = arith.constant 1 : i32
      %add3A_43 = arith.addi %mul3A_35, %add3A_42 : i32
      %dma_start3A_44 = arith.constant 0 : i32
      %dma_start3A_45 = tpu.memref_slice %arg5[%add3A_43, %dma_start3A_44] : memref<125x80xi32, #tpu.memory_space<vmem>> -> memref<1x80xi32, #tpu.memory_space<vmem>>
      %dma_start3A_46 = tpu.memref_squeeze %dma_start3A_45 : memref<1x80xi32, #tpu.memory_space<vmem>> -> memref<80xi32, #tpu.memory_space<vmem>>
      %dma_start3A_47 = arith.constant 0 : i32
      %dma_start3A_48 = arith.constant 0 : i32
      %dma_start3A_49 = tpu.memref_slice %arg11[%dma_start3A_47, %dma_start3A_48] : memref<10000x16xf32, #tpu.memory_space<vmem_shared>> -> memref<10000x16xf32, #tpu.memory_space<vmem_shared>>
      tpu.enqueue_indirect_dma source(%dma_start3A_49 : memref<10000x16xf32, #tpu.memory_space<vmem_shared>>) target(%arg8 : memref<80x16xf32, #tpu.memory_space<vmem>>) offsets(%dma_start3A_46 : memref<80xi32, #tpu.memory_space<vmem>>) semaphore(%arg13 : memref<!tpu.dma_semaphore, #tpu.memory_space<semaphore_mem>>)
      "tpu.region"() ({
        %run_scoped3A_68 = tpu.sem_alloc : memref<!tpu.dma_semaphore, #tpu.memory_space<semaphore_mem>>
        %dma_start3A_69 = arith.constant 0 : i32
        %dma_start3A_70 = tpu.memref_slice %arg6[%mul3A_35, %dma_start3A_69] : memref<125x80xi32, #tpu.memory_space<vmem>> -> memref<1x80xi32, #tpu.memory_space<vmem>>
        %dma_start3A_71 = tpu.memref_squeeze %dma_start3A_70 : memref<1x80xi32, #tpu.memory_space<vmem>> -> memref<80xi32, #tpu.memory_space<vmem>>
        %dma_start3A_72 = arith.constant 0 : i32
        %dma_start3A_73 = arith.constant 0 : i32
        %dma_start3A_74 = tpu.memref_slice %arg10[%dma_start3A_72, %dma_start3A_73] : memref<10000x16xf32, #tpu.memory_space<vmem_shared>> -> memref<10000x16xf32, #tpu.memory_space<vmem_shared>>
        tpu.enqueue_indirect_dma source(%arg7 : memref<80x16xf32, #tpu.memory_space<vmem>>) target(%dma_start3A_74 : memref<10000x16xf32, #tpu.memory_space<vmem_shared>>) offsets(%dma_start3A_71 : memref<80xi32, #tpu.memory_space<vmem>>) semaphore(%run_scoped3A_68 : memref<!tpu.dma_semaphore, #tpu.memory_space<semaphore_mem>>) {add = true}
        %dma_wait3A_75 = arith.constant 0 : i32
        %dma_wait3A_76 = tpu.memref_slice %arg6[%mul3A_35, %dma_wait3A_75] : memref<125x80xi32, #tpu.memory_space<vmem>> -> memref<1x80xi32, #tpu.memory_space<vmem>>
        %dma_wait3A_77 = tpu.memref_squeeze %dma_wait3A_76 : memref<1x80xi32, #tpu.memory_space<vmem>> -> memref<80xi32, #tpu.memory_space<vmem>>
        %dma_wait3A_78 = arith.constant 0 : i32
        %dma_wait3A_79 = arith.constant 0 : i32
        %dma_wait3A_80 = tpu.memref_slice %arg10[%dma_wait3A_78, %dma_wait3A_79] : memref<10000x16xf32, #tpu.memory_space<vmem_shared>> -> memref<10000x16xf32, #tpu.memory_space<vmem_shared>>
        tpu.wait_indirect_dma semaphore(%run_scoped3A_68 : memref<!tpu.dma_semaphore, #tpu.memory_space<semaphore_mem>>) src(%arg7 : memref<80x16xf32, #tpu.memory_space<vmem>>) dst(%dma_wait3A_80 : memref<10000x16xf32, #tpu.memory_space<vmem_shared>>)
        tpu.yield
      }) : () -> ()
      %add3A_50 = arith.constant 1 : i32
      %add3A_51 = arith.addi %mul3A_35, %add3A_50 : i32
      %dma_wait3A_52 = arith.constant 0 : i32
      %dma_wait3A_53 = tpu.memref_slice %arg5[%add3A_51, %dma_wait3A_52] : memref<125x80xi32, #tpu.memory_space<vmem>> -> memref<1x80xi32, #tpu.memory_space<vmem>>
      %dma_wait3A_54 = tpu.memref_squeeze %dma_wait3A_53 : memref<1x80xi32, #tpu.memory_space<vmem>> -> memref<80xi32, #tpu.memory_space<vmem>>
      %dma_wait3A_55 = arith.constant 0 : i32
      %dma_wait3A_56 = arith.constant 0 : i32
      %dma_wait3A_57 = tpu.memref_slice %arg11[%dma_wait3A_55, %dma_wait3A_56] : memref<10000x16xf32, #tpu.memory_space<vmem_shared>> -> memref<10000x16xf32, #tpu.memory_space<vmem_shared>>
      tpu.wait_indirect_dma semaphore(%arg13 : memref<!tpu.dma_semaphore, #tpu.memory_space<semaphore_mem>>) src(%dma_wait3A_57 : memref<10000x16xf32, #tpu.memory_space<vmem_shared>>) dst(%arg8 : memref<80x16xf32, #tpu.memory_space<vmem>>)
      %add3A_58 = arith.constant 2 : i32
      %add3A_59 = arith.addi %mul3A_35, %add3A_58 : i32
      %dma_start3A_60 = arith.constant 0 : i32
      %dma_start3A_61 = tpu.memref_slice %arg5[%add3A_59, %dma_start3A_60] : memref<125x80xi32, #tpu.memory_space<vmem>> -> memref<1x80xi32, #tpu.memory_space<vmem>>
      %dma_start3A_62 = tpu.memref_squeeze %dma_start3A_61 : memref<1x80xi32, #tpu.memory_space<vmem>> -> memref<80xi32, #tpu.memory_space<vmem>>
      %dma_start3A_63 = arith.constant 0 : i32
      %dma_start3A_64 = arith.constant 0 : i32
      %dma_start3A_65 = tpu.memref_slice %arg11[%dma_start3A_63, %dma_start3A_64] : memref<10000x16xf32, #tpu.memory_space<vmem_shared>> -> memref<10000x16xf32, #tpu.memory_space<vmem_shared>>
      tpu.enqueue_indirect_dma source(%dma_start3A_65 : memref<10000x16xf32, #tpu.memory_space<vmem_shared>>) target(%arg7 : memref<80x16xf32, #tpu.memory_space<vmem>>) offsets(%dma_start3A_62 : memref<80xi32, #tpu.memory_space<vmem>>) semaphore(%arg12 : memref<!tpu.dma_semaphore, #tpu.memory_space<semaphore_mem>>)
      %add3A_66 = arith.constant 1 : i32
      %add3A_67 = arith.addi %mul3A_35, %add3A_66 : i32
      "tpu.region"() ({
        %run_scoped3A_68 = tpu.sem_alloc : memref<!tpu.dma_semaphore, #tpu.memory_space<semaphore_mem>>
        %dma_start3A_69 = arith.constant 0 : i32
        %dma_start3A_70 = tpu.memref_slice %arg6[%add3A_67, %dma_start3A_69] : memref<125x80xi32, #tpu.memory_space<vmem>> -> memref<1x80xi32, #tpu.memory_space<vmem>>
        %dma_start3A_71 = tpu.memref_squeeze %dma_start3A_70 : memref<1x80xi32, #tpu.memory_space<vmem>> -> memref<80xi32, #tpu.memory_space<vmem>>
        %dma_start3A_72 = arith.constant 0 : i32
        %dma_start3A_73 = arith.constant 0 : i32
        %dma_start3A_74 = tpu.memref_slice %arg10[%dma_start3A_72, %dma_start3A_73] : memref<10000x16xf32, #tpu.memory_space<vmem_shared>> -> memref<10000x16xf32, #tpu.memory_space<vmem_shared>>
        tpu.enqueue_indirect_dma source(%arg8 : memref<80x16xf32, #tpu.memory_space<vmem>>) target(%dma_start3A_74 : memref<10000x16xf32, #tpu.memory_space<vmem_shared>>) offsets(%dma_start3A_71 : memref<80xi32, #tpu.memory_space<vmem>>) semaphore(%run_scoped3A_68 : memref<!tpu.dma_semaphore, #tpu.memory_space<semaphore_mem>>) {add = true}
        %dma_wait3A_75 = arith.constant 0 : i32
        %dma_wait3A_76 = tpu.memref_slice %arg6[%add3A_67, %dma_wait3A_75] : memref<125x80xi32, #tpu.memory_space<vmem>> -> memref<1x80xi32, #tpu.memory_space<vmem>>
        %dma_wait3A_77 = tpu.memref_squeeze %dma_wait3A_76 : memref<1x80xi32, #tpu.memory_space<vmem>> -> memref<80xi32, #tpu.memory_space<vmem>>
        %dma_wait3A_78 = arith.constant 0 : i32
        %dma_wait3A_79 = arith.constant 0 : i32
        %dma_wait3A_80 = tpu.memref_slice %arg10[%dma_wait3A_78, %dma_wait3A_79] : memref<10000x16xf32, #tpu.memory_space<vmem_shared>> -> memref<10000x16xf32, #tpu.memory_space<vmem_shared>>
        tpu.wait_indirect_dma semaphore(%run_scoped3A_68 : memref<!tpu.dma_semaphore, #tpu.memory_space<semaphore_mem>>) src(%arg8 : memref<80x16xf32, #tpu.memory_space<vmem>>) dst(%dma_wait3A_80 : memref<10000x16xf32, #tpu.memory_space<vmem_shared>>)
        tpu.yield
      }) : () -> ()
    }
    %scan3A_22 = arith.constant 62 : i32
    %dma_wait3A = arith.constant 124 : i32
    %dma_wait3A_23 = arith.constant 0 : i32
    %dma_wait3A_24 = tpu.memref_slice %arg5[%dma_wait3A, %dma_wait3A_23] : memref<125x80xi32, #tpu.memory_space<vmem>> -> memref<1x80xi32, #tpu.memory_space<vmem>>
    %dma_wait3A_25 = tpu.memref_squeeze %dma_wait3A_24 : memref<1x80xi32, #tpu.memory_space<vmem>> -> memref<80xi32, #tpu.memory_space<vmem>>
    %dma_wait3A_26 = arith.constant 0 : i32
    %dma_wait3A_27 = arith.constant 0 : i32
    %dma_wait3A_28 = tpu.memref_slice %arg11[%dma_wait3A_26, %dma_wait3A_27] : memref<10000x16xf32, #tpu.memory_space<vmem_shared>> -> memref<10000x16xf32, #tpu.memory_space<vmem_shared>>
    tpu.wait_indirect_dma semaphore(%arg12 : memref<!tpu.dma_semaphore, #tpu.memory_space<semaphore_mem>>) src(%dma_wait3A_28 : memref<10000x16xf32, #tpu.memory_space<vmem_shared>>) dst(%arg7 : memref<80x16xf32, #tpu.memory_space<vmem>>)
    %run_scoped3A_29 = arith.constant 124 : i32
    "tpu.region"() ({
      %run_scoped3A_33 = tpu.sem_alloc : memref<!tpu.dma_semaphore, #tpu.memory_space<semaphore_mem>>
      %dma_start3A_34 = arith.constant 0 : i32
      %dma_start3A_35 = tpu.memref_slice %arg6[%run_scoped3A_29, %dma_start3A_34] : memref<125x80xi32, #tpu.memory_space<vmem>> -> memref<1x80xi32, #tpu.memory_space<vmem>>
      %dma_start3A_36 = tpu.memref_squeeze %dma_start3A_35 : memref<1x80xi32, #tpu.memory_space<vmem>> -> memref<80xi32, #tpu.memory_space<vmem>>
      %dma_start3A_37 = arith.constant 0 : i32
      %dma_start3A_38 = arith.constant 0 : i32
      %dma_start3A_39 = tpu.memref_slice %arg10[%dma_start3A_37, %dma_start3A_38] : memref<10000x16xf32, #tpu.memory_space<vmem_shared>> -> memref<10000x16xf32, #tpu.memory_space<vmem_shared>>
      tpu.enqueue_indirect_dma source(%arg7 : memref<80x16xf32, #tpu.memory_space<vmem>>) target(%dma_start3A_39 : memref<10000x16xf32, #tpu.memory_space<vmem_shared>>) offsets(%dma_start3A_36 : memref<80xi32, #tpu.memory_space<vmem>>) semaphore(%run_scoped3A_33 : memref<!tpu.dma_semaphore, #tpu.memory_space<semaphore_mem>>) {add = true}
      %dma_wait3A_40 = arith.constant 0 : i32
      %dma_wait3A_41 = tpu.memref_slice %arg6[%run_scoped3A_29, %dma_wait3A_40] : memref<125x80xi32, #tpu.memory_space<vmem>> -> memref<1x80xi32, #tpu.memory_space<vmem>>
      %dma_wait3A_42 = tpu.memref_squeeze %dma_wait3A_41 : memref<1x80xi32, #tpu.memory_space<vmem>> -> memref<80xi32, #tpu.memory_space<vmem>>
      %dma_wait3A_43 = arith.constant 0 : i32
      %dma_wait3A_44 = arith.constant 0 : i32
      %dma_wait3A_45 = tpu.memref_slice %arg10[%dma_wait3A_43, %dma_wait3A_44] : memref<10000x16xf32, #tpu.memory_space<vmem_shared>> -> memref<10000x16xf32, #tpu.memory_space<vmem_shared>>
      tpu.wait_indirect_dma semaphore(%run_scoped3A_33 : memref<!tpu.dma_semaphore, #tpu.memory_space<semaphore_mem>>) src(%arg7 : memref<80x16xf32, #tpu.memory_space<vmem>>) dst(%dma_wait3A_45 : memref<10000x16xf32, #tpu.memory_space<vmem_shared>>)
      tpu.yield
    }) : () -> ()
    %barrier3A_30 = arith.constant 0 : index
    tpu.barrier barrier_id(%barrier3A_30)
    %mul3A_31 = arith.constant 625 : i32
    %mul3A_32 = arith.muli %arg1, %mul3A_31 : i32
    "tpu.region"() ({
      %run_scoped3A_33 = tpu.sem_alloc : memref<!tpu.dma_semaphore, #tpu.memory_space<semaphore_mem>>
      %dma_start3A_34 = arith.constant 0 : i32
      %dma_start3A_35 = tpu.memref_slice %arg10[%mul3A_32, %dma_start3A_34] : memref<10000x16xf32, #tpu.memory_space<vmem_shared>> -> memref<625x16xf32, #tpu.memory_space<vmem_shared>>
      %dma_start3A_36 = arith.constant 0 : i32
      %dma_start3A_37 = tpu.memref_slice %arg10[%mul3A_32, %dma_start3A_36] : memref<10000x16xf32, #tpu.memory_space<vmem_shared>> -> memref<625x16xf32, #tpu.memory_space<vmem_shared>>
      tpu.enqueue_dma source(%dma_start3A_37 : memref<625x16xf32, #tpu.memory_space<vmem_shared>>) target(%arg9 : memref<625x16xf32, #tpu.memory_space<vmem>>) target_semaphore(%run_scoped3A_33 : memref<!tpu.dma_semaphore, #tpu.memory_space<semaphore_mem>>)
      %dma_wait3A_38 = arith.constant 0 : i32
      %dma_wait3A_39 = tpu.memref_slice %arg10[%mul3A_32, %dma_wait3A_38] : memref<10000x16xf32, #tpu.memory_space<vmem_shared>> -> memref<625x16xf32, #tpu.memory_space<vmem_shared>>
      %dma_wait3A_40 = arith.constant 0 : i32
      %dma_wait3A_41 = tpu.memref_slice %arg10[%mul3A_32, %dma_wait3A_40] : memref<10000x16xf32, #tpu.memory_space<vmem_shared>> -> memref<625x16xf32, #tpu.memory_space<vmem_shared>>
      tpu.wait_dma2 semaphore(%run_scoped3A_33 : memref<!tpu.dma_semaphore, #tpu.memory_space<semaphore_mem>>) src(%dma_wait3A_41 : memref<625x16xf32, #tpu.memory_space<vmem_shared>>) dst(%arg9 : memref<625x16xf32, #tpu.memory_space<vmem>>)
      tpu.yield
    }) : () -> ()
    "tpu.region"() ({
      %run_scoped3A_33 = tpu.sem_alloc : memref<!tpu.dma_semaphore, #tpu.memory_space<semaphore_mem>>
      %dma_start3A_34 = arith.constant 0 : i32
      %dma_start3A_35 = arith.constant 0 : i32
      %dma_start3A_36 = tpu.memref_slice %arg4[%arg0, %arg1, %dma_start3A_34, %dma_start3A_35] : memref<2x16x625x16xf32, #tpu.memory_space<hbm>> -> memref<1x1x625x16xf32, #tpu.memory_space<hbm>>
      %dma_start3A_37 = tpu.memref_squeeze %dma_start3A_36 : memref<1x1x625x16xf32, #tpu.memory_space<hbm>> -> memref<625x16xf32, #tpu.memory_space<hbm>>
      %dma_start3A_38 = arith.constant 0 : i32
      %dma_start3A_39 = arith.constant 0 : i32
      %dma_start3A_40 = tpu.memref_slice %arg4[%arg0, %arg1, %dma_start3A_38, %dma_start3A_39] : memref<2x16x625x16xf32, #tpu.memory_space<hbm>> -> memref<1x1x625x16xf32, #tpu.memory_space<hbm>>
      %dma_start3A_41 = tpu.memref_squeeze %dma_start3A_40 : memref<1x1x625x16xf32, #tpu.memory_space<hbm>> -> memref<625x16xf32, #tpu.memory_space<hbm>>
      tpu.enqueue_dma source(%arg9 : memref<625x16xf32, #tpu.memory_space<vmem>>) target(%dma_start3A_41 : memref<625x16xf32, #tpu.memory_space<hbm>>) target_semaphore(%run_scoped3A_33 : memref<!tpu.dma_semaphore, #tpu.memory_space<semaphore_mem>>)
      %dma_wait3A_42 = arith.constant 0 : i32
      %dma_wait3A_43 = arith.constant 0 : i32
      %dma_wait3A_44 = tpu.memref_slice %arg4[%arg0, %arg1, %dma_wait3A_42, %dma_wait3A_43] : memref<2x16x625x16xf32, #tpu.memory_space<hbm>> -> memref<1x1x625x16xf32, #tpu.memory_space<hbm>>
      %dma_wait3A_45 = tpu.memref_squeeze %dma_wait3A_44 : memref<1x1x625x16xf32, #tpu.memory_space<hbm>> -> memref<625x16xf32, #tpu.memory_space<hbm>>
      %dma_wait3A_46 = arith.constant 0 : i32
      %dma_wait3A_47 = arith.constant 0 : i32
      %dma_wait3A_48 = tpu.memref_slice %arg4[%arg0, %arg1, %dma_wait3A_46, %dma_wait3A_47] : memref<2x16x625x16xf32, #tpu.memory_space<hbm>> -> memref<1x1x625x16xf32, #tpu.memory_space<hbm>>
      %dma_wait3A_49 = tpu.memref_squeeze %dma_wait3A_48 : memref<1x1x625x16xf32, #tpu.memory_space<hbm>> -> memref<625x16xf32, #tpu.memory_space<hbm>>
      tpu.wait_dma2 semaphore(%run_scoped3A_33 : memref<!tpu.dma_semaphore, #tpu.memory_space<semaphore_mem>>) src(%arg9 : memref<625x16xf32, #tpu.memory_space<vmem>>) dst(%dma_wait3A_49 : memref<625x16xf32, #tpu.memory_space<hbm>>)
      tpu.yield
    }) : () -> ()
    return
  }
}

module attributes {stable_mosaic.version = 14 : i64} {
  func.func @_prep_body(%arg0: memref<10000x128xf32, #tpu.memory_space<vmem>>, %arg1: memref<128x16xf32, #tpu.memory_space<vmem>>, %arg2: memref<2x10000x16xf32, #tpu.memory_space<vmem>>, %arg3: memref<10000x16xf32, #tpu.memory_space<vmem>>, %arg4: memref<10000x16xf32, #tpu.memory_space<vmem>>) attributes {dimension_semantics = [], scalar_prefetch = 0 : i64, scratch_operands = 0 : i64, tpu.core_type = #tpu.core_type<tc>} {
    %get3A = arith.constant 0 : index
    %get3A_0 = arith.constant 0 : index
    %get3A_1 = vector.load %arg0[%get3A, %get3A_0] : memref<10000x128xf32, #tpu.memory_space<vmem>>, vector<10000x128xf32>
    %get3A_2 = arith.constant 0 : index
    %get3A_3 = arith.constant 0 : index
    %get3A_4 = vector.load %arg1[%get3A_2, %get3A_3] : memref<128x16xf32, #tpu.memory_space<vmem>>, vector<128x16xf32>
    %dot_general3A = arith.constant dense<0.000000e+00> : vector<10000x16xf32>
    %dot_general3A_5 = tpu.matmul %get3A_1, %get3A_4, %dot_general3A {dimension_numbers = #tpu.dot_dimension_numbers<[1], [0], [0], [1], [0, 0, 1, 1], [], []>, transpose_lhs_hint = false} : vector<10000x128xf32>, vector<128x16xf32>, vector<10000x16xf32> -> vector<10000x16xf32>
    %get3A_6 = arith.constant 0 : index
    %get3A_7 = arith.constant 0 : index
    %get3A_8 = arith.constant 0 : index
    %get3A_9 = vector.load %arg2[%get3A_6, %get3A_7, %get3A_8] : memref<2x10000x16xf32, #tpu.memory_space<vmem>>, vector<1x10000x16xf32>
    %get3A_10 = vector.shape_cast %get3A_9 : vector<1x10000x16xf32> to vector<10000x16xf32>
    %get3A_11 = arith.constant 1 : index
    %get3A_12 = arith.constant 0 : index
    %get3A_13 = arith.constant 0 : index
    %get3A_14 = vector.load %arg2[%get3A_11, %get3A_12, %get3A_13] : memref<2x10000x16xf32, #tpu.memory_space<vmem>>, vector<1x10000x16xf32>
    %get3A_15 = vector.shape_cast %get3A_14 : vector<1x10000x16xf32> to vector<10000x16xf32>
    %add3A = arith.addf %get3A_10, %get3A_15 : vector<10000x16xf32>
    %add3A_16 = arith.constant 1.000000e+00 : f32
    %add3A_17 = vector.broadcast %add3A_16 : f32 to vector<10000x16xf32>
    %add3A_18 = arith.addf %add3A, %add3A_17 : vector<10000x16xf32>
    %rsqrt3A = math.rsqrt %add3A_18 : vector<10000x16xf32>
    %swap3A = arith.constant 0 : index
    %swap3A_19 = arith.constant 0 : index
    %swap3A_20 = vector.load %arg4[%swap3A, %swap3A_19] : memref<10000x16xf32, #tpu.memory_space<vmem>>, vector<10000x16xf32>
    tpu.vector_store %arg4[%swap3A, %swap3A_19], %rsqrt3A {strides = array<i32>} : memref<10000x16xf32, #tpu.memory_space<vmem>>, vector<10000x16xf32>,
    %mul3A = arith.mulf %rsqrt3A, %dot_general3A_5 : vector<10000x16xf32>
    %swap3A_21 = arith.constant 0 : index
    %swap3A_22 = arith.constant 0 : index
    %swap3A_23 = vector.load %arg3[%swap3A_21, %swap3A_22] : memref<10000x16xf32, #tpu.memory_space<vmem>>, vector<10000x16xf32>
    tpu.vector_store %arg3[%swap3A_21, %swap3A_22], %mul3A {strides = array<i32>} : memref<10000x16xf32, #tpu.memory_space<vmem>>, vector<10000x16xf32>,
    return
  }
}

module attributes {stable_mosaic.version = 14 : i64} {
  func.func @_fin_body(%arg0: memref<10000x16xf32, #tpu.memory_space<vmem>>, %arg1: memref<2x10000x16xf32, #tpu.memory_space<vmem>>, %arg2: memref<10000x16xf32, #tpu.memory_space<vmem>>, %arg3: memref<16x2xf32, #tpu.memory_space<vmem>>, %arg4: memref<1x2xf32, #tpu.memory_space<vmem>>, %arg5: memref<10000x2xf32, #tpu.memory_space<vmem>>) attributes {dimension_semantics = [], scalar_prefetch = 0 : i64, scratch_operands = 0 : i64, tpu.core_type = #tpu.core_type<tc>} {
    %get3A = arith.constant 0 : index
    %get3A_0 = arith.constant 0 : index
    %get3A_1 = vector.load %arg2[%get3A, %get3A_0] : memref<10000x16xf32, #tpu.memory_space<vmem>>, vector<10000x16xf32>
    %get3A_2 = arith.constant 0 : index
    %get3A_3 = arith.constant 0 : index
    %get3A_4 = vector.load %arg0[%get3A_2, %get3A_3] : memref<10000x16xf32, #tpu.memory_space<vmem>>, vector<10000x16xf32>
    %get3A_5 = arith.constant 0 : index
    %get3A_6 = arith.constant 0 : index
    %get3A_7 = arith.constant 0 : index
    %get3A_8 = vector.load %arg1[%get3A_5, %get3A_6, %get3A_7] : memref<2x10000x16xf32, #tpu.memory_space<vmem>>, vector<1x10000x16xf32>
    %get3A_9 = vector.shape_cast %get3A_8 : vector<1x10000x16xf32> to vector<10000x16xf32>
    %add3A = arith.addf %get3A_4, %get3A_9 : vector<10000x16xf32>
    %get3A_10 = arith.constant 1 : index
    %get3A_11 = arith.constant 0 : index
    %get3A_12 = arith.constant 0 : index
    %get3A_13 = vector.load %arg1[%get3A_10, %get3A_11, %get3A_12] : memref<2x10000x16xf32, #tpu.memory_space<vmem>>, vector<1x10000x16xf32>
    %get3A_14 = vector.shape_cast %get3A_13 : vector<1x10000x16xf32> to vector<10000x16xf32>
    %add3A_15 = arith.addf %add3A, %get3A_14 : vector<10000x16xf32>
    %mul3A = arith.mulf %get3A_1, %add3A_15 : vector<10000x16xf32>
    %get3A_16 = arith.constant 0 : index
    %get3A_17 = arith.constant 0 : index
    %get3A_18 = vector.load %arg3[%get3A_16, %get3A_17] : memref<16x2xf32, #tpu.memory_space<vmem>>, vector<16x2xf32>
    %dot_general3A = arith.constant dense<0.000000e+00> : vector<10000x2xf32>
    %dot_general3A_19 = tpu.matmul %mul3A, %get3A_18, %dot_general3A {dimension_numbers = #tpu.dot_dimension_numbers<[1], [0], [0], [1], [0, 0, 1, 1], [], []>, transpose_lhs_hint = false} : vector<10000x16xf32>, vector<16x2xf32>, vector<10000x2xf32> -> vector<10000x2xf32>
    %get3A_20 = arith.constant 0 : index
    %get3A_21 = arith.constant 0 : index
    %get3A_22 = vector.load %arg4[%get3A_20, %get3A_21] : memref<1x2xf32, #tpu.memory_space<vmem>>, vector<1x2xf32>
    %add3A_23 = vector.broadcast %get3A_22 : vector<1x2xf32> to vector<10000x2xf32>
    %add3A_24 = arith.addf %dot_general3A_19, %add3A_23 : vector<10000x2xf32>
    %reduce_max3A = arith.constant dense<0xFF800000> : vector<10000xf32>
    %reduce_max3A_25 = vector.multi_reduction <maximumf>, %add3A_24, %reduce_max3A [1] : vector<10000x2xf32> to vector<10000xf32>
    %broadcast_in_dim3A = vector.shape_cast %reduce_max3A_25 : vector<10000xf32> to vector<10000x1xf32>
    %sub3A = vector.broadcast %broadcast_in_dim3A : vector<10000x1xf32> to vector<10000x2xf32>
    %sub3A_26 = arith.subf %add3A_24, %sub3A : vector<10000x2xf32>
    %exp3A = math.exp %sub3A_26 : vector<10000x2xf32>
    %reduce_sum3A = arith.constant dense<0.000000e+00> : vector<10000xf32>
    %reduce_sum3A_27 = vector.multi_reduction <add>, %exp3A, %reduce_sum3A [1] : vector<10000x2xf32> to vector<10000xf32>
    %broadcast_in_dim3A_28 = vector.shape_cast %reduce_sum3A_27 : vector<10000xf32> to vector<10000x1xf32>
    %log3A = math.log %broadcast_in_dim3A_28 : vector<10000x1xf32>
    %sub3A_29 = vector.broadcast %log3A : vector<10000x1xf32> to vector<10000x2xf32>
    %sub3A_30 = arith.subf %sub3A_26, %sub3A_29 : vector<10000x2xf32>
    %swap3A = arith.constant 0 : index
    %swap3A_31 = arith.constant 0 : index
    %swap3A_32 = vector.load %arg5[%swap3A, %swap3A_31] : memref<10000x2xf32, #tpu.memory_space<vmem>>, vector<10000x2xf32>
    tpu.vector_store %arg5[%swap3A, %swap3A_31], %sub3A_30 {strides = array<i32>} : memref<10000x2xf32, #tpu.memory_space<vmem>>, vector<10000x2xf32>,
    return
  }
}

</mosaic_0001>

<sc_bundles>
// kernel: kernel.10.cloned.1.call-start
scs
__scs_entry_jumppad:
0x0: {  	(pc) =	sbr.rel $0x88, $3  }
0x1: {  	(tag) =	ssettag $0x0;
	lr =	simm.s32 $0x1  }
0x2: {  	[smem:$0x3F9B] =	sst lr;
	_ =	strace $0xD0000000  }
0x3: {  	_ = 	snop  }
0x4: {  	_ = 	snop  }
0x5: {  	_ = 	snop  }
0x6: {  	_ = 	snop  }
0x7: {  	_ = 	snop  }
__scs_overlays_trampoline_lowered:
0x8: {  	[smem:$0x3FAA] =	sst s0  }
0x9: {  	[smem:$0x3FAB] =	sst s1  }
0xa: {  	[smem:$0x3FAC] =	sst s2  }
0xb: {  	[smem:$0x3FAD] =	sst s3  }
0xc: {  	[smem:$0x3FAE] =	sst s4  }
0xd: {  	[smem:$0x3FAF] =	sst s5  }
0xe: {  	[smem:$0x3FB0] =	sst s6  }
0xf: {  	[smem:$0x3FB1] =	sst s7  }
0x10: {  	[smem:$0x3FB2] =	sst s8  }
0x11: {  	[smem:$0x3FB3] =	sst s9;
	s0 =	simm.s32 @!p0 $0x0  }
0x12: {  	s1 =	sld [smem:$0x3F99];
	s0 =	simm.s32 @p0 $0x1  }
0x13: {  	[smem:$0x3FB4] =	sst s0;
	s0 =	simm.s32 @!p1 $0x0  }
0x14: {  	s2 =	sld [smem:$0x3F98];
	s0 =	simm.s32 @p1 $0x1  }
0x15: {  	[smem:$0x3FB5] =	sst s0;
	s0 =	simm.s32 @!p2 $0x0  }
0x16: {  	s3 =	sld [smem:$0x3FDB];
	s0 =	simm.s32 @p2 $0x1  }
0x17: {  	s4 =	simm.s32 $0x1BF5;
	[smem:$0x3FB7] =	sst s0  }
0x18: {  	s0 =	sld [smem:$0x3F9A];
	_ =	swait.ge [sflag:s4], $0x0  }
0x19: {  	s7 =	sld [smem:$0x3F9B]  }
0x1a: {  	s8 =	sadd.s32 $0xFFFFE003, lr  }
0x1b: {  	s9 =	sadd.s32 $0xFFFFFEF7, lr;
	s5 =	simm.s32 $0xFFFFFFFF;
	p2 =	slt.u32 s8, $0xFFFFF086  }
0x1c: {  	p1 =	slt.u32 s9, $0xF7A;
	s5 =	simm.s32 @!p2 $0x0  }
0x1d: {  	s5 =	simm.s32 @p1 $0x1;
	p0 =	seq.s32 s7, s2  }
0x1e: {  	s7 =	smul.u32 @!p0 $0xF7A, s2;
	p2 =	seq.s32 @!p0 s5, $0x0  }
0x1f: {  	s9 =	smul.u32 $0xF7A, s1;
	s8 =	simm.s32 @!p0 $0x1BF5;
	p2 =	por !p2, p0  }
0x20: {  	[sflag:s8] =	ssyncset.s32 @!p0 $0xFFFFF086;
	s6 =	sadd.s32 @!p0 s3, s7;
	s7 =	simm.s32 @!p0 $0x108  }
0x21: {  	s3 =	sadd.s32 s3, s9;
	s6 =	sadd.s32 @!p0 $0x88, s6;
	s7 =	simm.s32 @p2 $0x1082  }
0x22: {  	[simem:s7], [sflag:s8] =	dma.local @!p0 [hbm:s6], $0xF7A  }
0x23: {  	s9 =	sor.u32 $0xD0000000, s2;
	s6 =	simm.s32 $0x108;
	_ =	swait.ge @!p0 [sflag:s8], $0x0  }
0x24: {  	s3 =	sadd.s32 $0x88, s3;
	s6 =	simm.s32 @!p1 $0x1082;
	[sflag:s4] =	ssyncset.s32 $0xFFFFF086  }
0x25: {  	[simem:s6], [sflag:s4] =	dma.local [hbm:s3], $0xF7A  }
0x26: {  	[smem:$0x3F9B] =	sst s1;
	(tag) =	ssettag s2;
	_ =	strace s9  }
0x27: {  	s1 =	sld [smem:$0x3FAB]  }
0x28: {  	s2 =	sld [smem:$0x3FAC]  }
0x29: {  	s4 =	sld [smem:$0x3FAE]  }
0x2a: {  	p0 =	seq.s32 s5, $0x0;
	s5 =	sld [smem:$0x3FAF]  }
0x2b: {  	s6 =	sld [smem:$0x3FB0]  }
0x2c: {  	s7 =	sld [smem:$0x3FB1]  }
0x2d: {  	s3 =	simm.s32 $0x108;
	s8 =	sld [smem:$0x3FB2]  }
0x2e: {  	s3 =	simm.s32 @!p0 $0x1082;
	s9 =	sld [smem:$0x3FB3]  }
0x2f: {  	lr =	sadd.s32 s0, s3;
	s0 =	sld [smem:$0x3FAA]  }
0x30: {  	s3 =	sld [smem:$0x3FAD]  }
0x31: {  	[smem:$0x3FB6] =	sst s10  }
0x32: {  	s10 =	sld [smem:$0x3FB4];
	_ =	sdelay $0x3  }
0x33: {  	p0 =	seq.s32 s10, $0x1;
	s10 =	sld [smem:$0x3FB6];
	_ =	sdelay $0x3  }
0x34: {  	[smem:$0x3FB6] =	sst s10  }
0x35: {  	s10 =	sld [smem:$0x3FB5];
	_ =	sdelay $0x3  }
0x36: {  	p1 =	seq.s32 s10, $0x1;
	s10 =	sld [smem:$0x3FB6];
	_ =	sdelay $0x3  }
0x37: {  	[smem:$0x3FB6] =	sst s10  }
0x38: {  	s10 =	sld [smem:$0x3FB7]  }
0x39: {  	_ = 	snop;
	(pc) =	sbr.ind lr, $3  }
0x3a: {  	_ = 	snop  }
0x3b: {  	_ = 	snop  }
0x3c: {  	p2 =	seq.s32 s10, $0x1;
	s10 =	sld [smem:$0x3FB6]  }
0x3d: {  	_ =	shalt  }
0x3e: {  	_ =	shalt  }
0x3f: {  	_ =	shalt  }
0x40: {  	_ =	shalt  }
0x41: {  	_ =	shalt  }
0x42: {  	_ =	shalt  }
0x43: {  	_ =	shalt  }
0x44: {  	_ =	shalt  }
0x45: {  	_ =	shalt  }
0x46: {  	_ =	shalt  }
0x47: {  	_ =	shalt  }
0x48: {  	_ =	shalt  }
0x49: {  	_ =	shalt  }
0x4a: {  	_ =	shalt  }
0x4b: {  	_ =	shalt  }
0x4c: {  	_ =	shalt  }
0x4d: {  	_ =	shalt  }
0x4e: {  	_ =	shalt  }
0x4f: {  	_ =	shalt  }
0x50: {  	_ =	shalt  }
0x51: {  	_ =	shalt  }
0x52: {  	_ =	shalt  }
0x53: {  	_ =	shalt  }
0x54: {  	_ =	shalt  }
0x55: {  	_ =	shalt  }
0x56: {  	_ =	shalt  }
0x57: {  	_ =	shalt  }
0x58: {  	_ =	shalt  }
0x59: {  	_ =	shalt  }
0x5a: {  	_ =	shalt  }
0x5b: {  	_ =	shalt  }
0x5c: {  	_ =	shalt  }
0x5d: {  	_ =	shalt  }
0x5e: {  	_ =	shalt  }
0x5f: {  	_ =	shalt  }
0x60: {  	_ =	shalt  }
0x61: {  	_ =	shalt  }
0x62: {  	_ =	shalt  }
0x63: {  	_ =	shalt  }
0x64: {  	_ =	shalt  }
0x65: {  	_ =	shalt  }
0x66: {  	_ =	shalt  }
0x67: {  	_ =	shalt  }
0x68: {  	_ =	shalt  }
0x69: {  	_ =	shalt  }
0x6a: {  	_ =	shalt  }
0x6b: {  	_ =	shalt  }
0x6c: {  	_ =	shalt  }
0x6d: {  	_ =	shalt  }
0x6e: {  	_ =	shalt  }
0x6f: {  	_ =	shalt  }
0x70: {  	_ =	shalt  }
0x71: {  	_ =	shalt  }
0x72: {  	_ =	shalt  }
0x73: {  	_ =	shalt  }
0x74: {  	_ =	shalt  }
0x75: {  	_ =	shalt  }
0x76: {  	_ =	shalt  }
0x77: {  	_ =	shalt  }
0x78: {  	_ =	shalt  }
0x79: {  	_ =	shalt  }
0x7a: {  	_ =	shalt  }
0x7b: {  	_ =	shalt  }
0x7c: {  	_ =	shalt  }
0x7d: {  	_ =	shalt  }
0x7e: {  	_ =	shalt  }
0x7f: {  	_ =	shalt  }
0x80: {  	_ =	shalt  }
0x81: {  	_ =	shalt  }
0x82: {  	_ =	shalt  }
0x83: {  	_ =	shalt  }
0x84: {  	_ =	shalt  }
0x85: {  	_ =	shalt  }
0x86: {  	_ =	shalt  }
0x87: {  	_ =	shalt  }
.Lfunc_end0:
.L_simem_size_0:
called_computation.1_lowered:
.L_overlay_start_0:
0x88: {  	s2 =	sld [smem:$0x3FD9]  }
0x89: {  	s3 =	sld [smem:$0x3FFE];
	_ =	sdelay $0x1  }
0x8a: {  	s1 =	srdreg.scid  }
0x8b: {  	s0 =	sand.u32 $0x1, s1  }
0x8c: {  	s16 =	sshll.u32 s0, $0xA;
	s2 =	sadd.s32 s3, s2  }
0x8d: {  	s2 =	sadd.s32 s2, s16  }
0x8e: {  	[smem:$0x3FC2] =	sst s2  }
0x8f: {  	_ = 	snop  }
0x90: {  	(tm) =	ssettm $0x1  }
0x91: {  	s17 =	sld [smem:$0x3FFB];
	_ =	sdelay $0x3  }
0x92: {  	_ =	strace s17  }
0x93: {  	s2 =	sld [smem:$0x3FFC];
	_ =	sdelay $0x3  }
0x94: {  	_ =	strace s2  }
0x95: {  	s2 =	sld [smem:$0x3FFD];
	_ =	sdelay $0x3  }
0x96: {  	_ =	strace s2  }
0x97: {  	_ =	strace $0x8FFFFFFF  }
0x98: {  	s18 =	sld [smem:$0x3FDB];
	_ =	sdelay $0x1  }
0x99: {  	s19 =	simm.s32 $_scs_section_size  }
0x9a: {  	s4 =	simm.s32 $_size__tile_overlayer_lowered;
	s5 =	simm.s32 $_tile_overlayer_lowered  }
0x9b: {  	s22 =	simm.s32 $0x1BFF;
	s21 =	sshll.u32 s5, $0x1;
	s2 =	sadd.s32 s19, s18  }
0x9c: {  	s6 =	simm.s32 $0x0;
	s20 =	sshll.u32 s4, $0x1;
	s4 =	sadd.s32 s21, s2  }
0x9d: {  	[timem:s6], [sflag:s22] =	dma.local [hbm:s4], s20  }
0x9e: {  	_ =	swait.ge [sflag:s22], s20  }
0x9f: {  	s3 =	ssub.s32 $0x0, s20;
	[sflag:s22] =	ssyncset.done $0x0  }
0xa0: {  	[sflag:s22] =	ssyncadd.s32 s3;
	_ =	sdelay $0x1  }
0xa1: {  	s23 =	simm.s32 $0x1B8B  }
0xa2: {  	_ =	swait.ge [sflag:s23], $0x1  }
0xa3: {  	[sflag:s23] =	ssyncset.done $0x0  }
0xa4: {  	s25 =	simm.s32 $0x1B8E;
	s24 =	sld [smem:$0x3FFE];
	[sflag:s23] =	ssyncadd.s32 $0xFFFFFFFF  }
0xa5: {  	s26 =	simm.s32 $execute0_lowered;
	[smem:$0x3FD2] =	sst s25  }
0xa6: {  	s4 =	sshll.u32 s26, $0x1;
	_ =	strace $0x80000049;
	[dreg:$0x1] =	wrdreg $0xFFFFFFFF  }
0xa7: {  	s28 =	simm.s32 $_size_execute0_lowered;
	s2 =	sadd.s32 s2, s4;
	[dreg:$0x0] =	wrdreg $0x0  }
0xa8: {  	s4 =	sshll.u32 s28, $0x1;
	[dreg:$0x2] =	wrdreg s2  }
0xa9: {  	[dreg:$0x3] =	wrdreg s4  }
0xaa: {  	[dreg:$0x4] =	wrdreg $0xC0  }
0xab: {  	_ =	task [dreg:s6], $0x5FFFF  }
0xac: {  	[dreg:$0x1] =	wrdreg $0xFFFFFFFF  }
0xad: {  	[dreg:$0x0] =	wrdreg $0x60  }
0xae: {  	[dreg:$0x2] =	wrdreg s24  }
0xaf: {  	[dreg:$0x3] =	wrdreg $0x7F300  }
0xb0: {  	[dreg:$0x4] =	wrdreg $0xA6400  }
0xb1: {  	[dreg:$0x5] =	wrdreg $0x9  }
0xb2: {  	_ =	task.clear_ibuf [dreg:s6], $0x6FFFF;
	_ =	strace $0x90000049  }
0xb3: {  	s29 =	simm.s32 $0x9;
	_ =	strace $0x8000004B  }
0xb4: {  	_ =	swait.ge [sflag:s29], $0x1  }
0xb5: {  	[sflag:s29] =	ssyncadd.s32 $0xFFFFFFFF  }
0xb6: {  	_ =	strace $0x9000004B  }
0xb7: {  	_ =	sfence  }
0xb8: {  	s30 =	sld [smem:$0x0];
	_ =	sdelay $0x2  }
0xb9: {  	s31 =	sshll.u32 s1, $0xD;
	s1 =	sshrl.u32 s1, $0x2  }
0xba: {  	s3 =	sand.u32 $0x4000, s31;
	s1 =	sadd.s32 s1, s30  }
0xbb: {  	s0 =	sor.u32 s3, s0;
	s1 =	sshll.u32 s1, $0x11  }
0xbc: {  	s0 =	sor.u32 s1, s0  }
0xbd: {  	s0 =	sadd.s32 $0x8F2B, s0  }
0xbe: {  	[sflag:s0] =	ssyncadd.remote.s32 $0x1  }
0xbf: {  	_ =	sfence.sel $0xFFFF  }
0xc0: {  	[dreg:$0x0] =	wrdreg $0xFFFFFFFF;
	(pc) =	sbr.abs _section_cstart, $3  }
0xc1: {  	[dreg:$0x1] =	wrdreg $0xFFFFFFFF  }
0xc2: {  	_ =	task.clear_ibuf [dreg:s6], $0x2FFFF;
	_ =	strace $0x9FFFFFFF  }
0xc3: {  	(tm) =	ssettm $0x7FFFFFFF  }
tec
execute0_lowered:
.L_overlay_start_1:
0x0: {  	(tag) =	ssettag $0x1  }
0x1: {  	s5 =	rddreg [dreg:$0x0]  }
0x2: {  	s2 =	rddreg [dreg:$0x1];
	s0 =	srdreg.scid  }
0x3: {  	s3 =	rddreg [dreg:$0x2];
	s1 =	stileid.u32;
	s4 =	simm.s32 $0x0  }
0x4: {  	s12 =	simm.s32 $0x3;
	s15 =	simm.s32 $0x2710;
	s16 =	simm.s32 $0x50  }
0x5: {  	s17 =	simm.s32 $0x4E20;
	s18 =	simm.s32 $0x1;
	s19 =	simm.s32 $0x5320  }
0x6: {  	s20 =	simm.s32 $0x2;
	s21 =	simm.s32 $0x4DD0;
	s22 =	simm.s32 $0x0  }
0x7: {  	s6 =	sand.u32 $0x1, s0;
	s0 =	rddreg [dreg:$0x3];
	s7 =	smul.u32 $0x2710, s1  }
0x8: {  	[smem:$0x7FF] =	sst s4;
	s13 =	sshll.u32 s1, $0x6;
	s8 =	sshll.u32 s6, $0x4  }
0x9: {  	s9 =	smul.u32 $0x27100, s6;
	_ =	strace $0x8000004A;
	s6 =	ssub.s32 $0x2, s6  }
0xa: {  	s13 =	sor.u32 $0x1C03, s13;
	s8 =	sor.u32 s1, s8;
	s10 =	sshrl.u32 s7, $0x3  }
0xb: {  	s31 =	sshrl.u32 s6, $0x1;
	s14 =	sadd.s32 s7, s3;
	s8 =	smul.u32 $0x2710, s8  }
0xc: {  	s10 =	sadd.s32 s10, s5;
	s9 =	sadd.s32 s7, s9;
	s11 =	ssub.s32 s6, s31  }
0xd: {  	s14 =	sshrl.u32 s14, $0x3;
	s9 =	sshrl.u32 s9, $0x3;
	s6 =	sadd.s32 $0x15C00, s10  }
0xe: {  	s10 =	smax.u32 s11, $0x1;
	s11 =	simm.s32 $0x5820;
	s8 =	sshrl.u32 s8, $0x3  }
0xf: {  	s9 =	sadd.s32 s9, s5;
	s8 =	sadd.s32 s8, s5;
	s5 =	sadd.s32 s7, s2  }
0x10: {  	v0 =	vimm.f32 $0.0e+00;
	s9 =	sadd.s32 $0x1AC00, s9;
	s7 =	sadd.s32 $0x2200, s8;
	s8 =	sadd.s32 $0xBE40, s8  }
.LBB2_1:
0x11: {  	s23 =	simm.s32 $0x40;
	s24 =	simm.s32 $0x0  }
.LBB2_2:
0x12: {  	p0 =	sne.s32 s23, $0x9C00;
	[tilespmem:s24+$0x5820] =	vst v0;
	s24 =	smov.u32 s23;
	s23 =	sadd.s32 $0x40, s23  }
.Ltmp0:
0x13: {  	(pc) =	sbr.rel @p0 .LBB2_2-.Ltmp0, $2  }
0x14: {  	_ =	sdelay $0x2  }
0x15: {  	s24 =	sshra.s32 s24, $0x2  }
0x16: {  	[tilespmem:s24+$0x5820] =	vst v0  }
0x17: {  	[spmem:s5] =	stream.linear.scatter [tilespmem:s11], [sflag:$0x3], $0x2710, $0x38;
	[tilespmem:$0xCD50] =	vst v63  }
0x18: {  	_ =	swait.ge [sflag:s12], $0x2710  }
0x19: {  	[sflag:s12] =	ssyncset.done $0x0  }
0x1a: {  	[sflag:s12] =	ssyncadd.s32 $0xFFFFD8F0  }
0x1b: {  	[spmem:s14], [sflag:s13] =	dma.local [hbm:s6], $0x4E2  }
0x1c: {  	_ =	swait.ge [sflag:s12], $0x4E2  }
0x1d: {  	[sflag:s12] =	ssyncset.done $0x0  }
0x1e: {  	s23 =	simm.s32 $0x0;
	[sflag:s12] =	ssyncadd.s32 $0xFFFFFB1E  }
0x1f: {  	[tilespmem:s23], [sflag:$0x3] =	stream.linear.gather [hbm4b:s7+s23], $0x2710, $0x38;
	[tilespmem:$0xCD50] =	vst v63  }
0x20: {  	_ =	swait.ge [sflag:s12], $0x2710  }
0x21: {  	[sflag:s12] =	ssyncset.done $0x0  }
0x22: {  	[sflag:s12] =	ssyncadd.s32 $0xFFFFD8F0  }
0x23: {  	[tilespmem:s15], [sflag:$0x3] =	stream.linear.gather [hbm4b:s8+s23], $0x2710, $0x38;
	[tilespmem:$0xCD50] =	vst v63  }
0x24: {  	_ =	swait.ge [sflag:s12], $0x2710  }
0x25: {  	[sflag:s12] =	ssyncset.done $0x0  }
0x26: {  	[sflag:s12] =	ssyncadd.s32 $0xFFFFD8F0  }
0x27: {  	[bflag:$0x0] =	sbarrier.arrive $0xFFFF  }
0x28: {  	[tilespmem:s17], [sflag:$0x1] =	stream.indirect.gather [spmem:s3], $0x10, s23, s16, $0xb8;
	[tilespmem:$0xCD50] =	vst v63  }
0x29: {  	_ =	swait.ge [sflag:s18], $0x500  }
0x2a: {  	[sflag:s18] =	ssyncset.done $0x0  }
0x2b: {  	s28 =	simm.s32 $0x50;
	[sflag:s18] =	ssyncadd.s32 $0xFFFFFB00  }
0x2c: {  	[tilespmem:s19], [sflag:$0x2] =	stream.indirect.gather [spmem:s3], $0x10, s28, s16, $0xb8;
	[tilespmem:$0xCD50] =	vst v63  }
0x2d: {  	s29 =	simm.s32 $0x2710  }
0x2e: {  	[spmem:s2] =	stream.indirect.scatter.add.f32 [tilespmem:s17], [sflag:$0x3], $0x10, s29, s16, $0xb8;
	[tilespmem:$0xCD50] =	vst v63  }
0x2f: {  	_ =	swait.ge [sflag:s12], $0x500  }
0x30: {  	[sflag:s12] =	ssyncset.done $0x0  }
0x31: {  	[sflag:s12] =	ssyncadd.s32 $0xFFFFFB00  }
0x32: {  	_ =	swait.ge [sflag:s20], $0x500  }
0x33: {  	[sflag:s20] =	ssyncset.done $0x0  }
0x34: {  	s30 =	simm.s32 $0xA0;
	[sflag:s20] =	ssyncadd.s32 $0xFFFFFB00  }
0x35: {  	[tilespmem:s17], [sflag:$0x1] =	stream.indirect.gather [spmem:s3], $0x10, s30, s16, $0xb8;
	[tilespmem:$0xCD50] =	vst v63  }
0x36: {  	s31 =	simm.s32 $0x2760  }
0x37: {  	[spmem:s2] =	stream.indirect.scatter.add.f32 [tilespmem:s19], [sflag:$0x3], $0x10, s31, s16, $0xb8;
	[tilespmem:$0xCD50] =	vst v63  }
0x38: {  	_ =	swait.ge [sflag:s12], $0x500  }
0x39: {  	s23 =	simm.s32 $0x280;
	[sflag:s12] =	ssyncset.done $0x0  }
.LBB2_4:
0x3a: {  	p0 =	sne.s32 s23, $0x9880  }
0x3b: {  	[sflag:s12] =	ssyncadd.s32 $0xFFFFFB00;
	s24 =	smov.u32 s23;
	s23 =	sadd.s32 $0x280, s23  }
0x3c: {  	_ = 	snop  }
0x3d: {  	_ =	swait.ge [sflag:s18], $0x500  }
0x3e: {  	s24 =	sshra.s32 s24, $0x2;
	[sflag:s18] =	ssyncset.done $0x0  }
0x3f: {  	s25 =	sadd.s32 $0x50, s24;
	[sflag:s18] =	ssyncadd.s32 $0xFFFFFB00  }
0x40: {  	[tilespmem:s19], [sflag:$0x2] =	stream.indirect.gather [spmem:s3], $0x10, s25, s16, $0xb8;
	[tilespmem:$0xCD50] =	vst v63  }
0x41: {  	s25 =	sadd.s32 $0x2710, s24  }
0x42: {  	[spmem:s2] =	stream.indirect.scatter.add.f32 [tilespmem:s17], [sflag:$0x3], $0x10, s25, s16, $0xb8;
	[tilespmem:$0xCD50] =	vst v63  }
0x43: {  	_ =	swait.ge [sflag:s12], $0x500  }
0x44: {  	[sflag:s12] =	ssyncset.done $0x0  }
0x45: {  	[sflag:s12] =	ssyncadd.s32 $0xFFFFFB00  }
0x46: {  	_ =	swait.ge [sflag:s20], $0x500  }
0x47: {  	[sflag:s20] =	ssyncset.done $0x0  }
0x48: {  	s25 =	sadd.s32 $0xA0, s24;
	[sflag:s20] =	ssyncadd.s32 $0xFFFFFB00  }
0x49: {  	[tilespmem:s17], [sflag:$0x1] =	stream.indirect.gather [spmem:s3], $0x10, s25, s16, $0xb8;
	[tilespmem:$0xCD50] =	vst v63  }
.Ltmp1:
0x4a: {  	_ = 	snop;
	(pc) =	sbr.rel @p0 .LBB2_4-.Ltmp1, $4  }
0x4b: {  	s24 =	sadd.s32 $0x2760, s24  }
0x4c: {  	[spmem:s2] =	stream.indirect.scatter.add.f32 [tilespmem:s19], [sflag:$0x3], $0x10, s24, s16, $0xb8;
	[tilespmem:$0xCD50] =	vst v63  }
0x4d: {  	_ =	swait.ge [sflag:s12], $0x500  }
0x4e: {  	[sflag:s12] =	ssyncset.done $0x0  }
0x4f: {  	[sflag:s12] =	ssyncadd.s32 $0xFFFFFB00  }
0x50: {  	_ =	swait.ge [sflag:s18], $0x500  }
0x51: {  	[sflag:s18] =	ssyncset.done $0x0  }
0x52: {  	[sflag:s18] =	ssyncadd.s32 $0xFFFFFB00  }
0x53: {  	[spmem:s2] =	stream.indirect.scatter.add.f32 [tilespmem:s17], [sflag:$0x3], $0x10, s21, s16, $0xb8;
	[tilespmem:$0xCD50] =	vst v63  }
0x54: {  	_ =	swait.ge [sflag:s12], $0x500  }
0x55: {  	[sflag:s12] =	ssyncset.done $0x0  }
0x56: {  	[sflag:s12] =	ssyncadd.s32 $0xFFFFFB00  }
0x57: {  	[bflag:$0x0] =	sbarrier.arrive $0xFFFF  }
0x58: {  	[tilespmem:s11], [sflag:$0x3] =	stream.linear.gather [spmem:s5], $0x2710, $0x38;
	[tilespmem:$0xCD50] =	vst v63  }
0x59: {  	s22 =	sadd.s32 $0x1, s22;
	_ =	swait.ge [sflag:s12], $0x2710  }
0x5a: {  	p0 =	sne.s32 s22, s10;
	[sflag:s12] =	ssyncset.done $0x0  }
.Ltmp2:
0x5b: {  	[sflag:s12] =	ssyncadd.s32 $0xFFFFD8F0;
	(pc) =	sbr.rel @p0 .LBB2_1-.Ltmp2, $4  }
0x5c: {  	[hbm4b:s9+s4] =	stream.linear.scatter [tilespmem:s11], [sflag:$0x3], $0x2710, $0x38;
	[tilespmem:$0xCD50] =	vst v63  }
0x5d: {  	_ =	swait.ge [sflag:s12], $0x2710  }
0x5e: {  	[sflag:s12] =	ssyncset.done $0x0  }
0x5f: {  	[sflag:s12] =	ssyncadd.s32 $0xFFFFD8F0  }
0x60: {  	_ =	sfence.sel $0x180000  }
0x61: {  	[bflag:$0x0] =	sbarrier.arrive $0xFFFF  }
0x62: {  	p0 =	sne.s32 s1, $0x0;
	_ =	strace $0x9000004A  }
0x63: {  	s0 =	sadd.s32 @!p0 $0x100000, s0;
	[bflag:$0x2] =	sbarrier.arrive $0xFFFF  }
0x64: {  	[sflag:s0] =	ssyncadd.tile.s32 @!p0 $0x1;
	_ =	shalt  }
.Lfunc_end2:
_tile_overlayer_lowered:
.L_overlay_start_2:
0x65: {  	(tag) =	ssettag $0x2  }
0x66: {  	s0 =	rddreg [dreg:$0x0];
	s2 =	stileid.u32  }
0x67: {  	s1 =	rddreg [dreg:$0x1];
	p0 =	sne.s32 s2, $0x0  }
0x68: {  	s3 =	rddreg [dreg:$0x2];
	[bflag:$0x3] =	sbarrier.arrive $0xFFFF;
	s2 =	simm.s32 @!p0 $0x1C03  }
0x69: {  	[timem:s3], [sflag:s2] =	dma.local @!p0 [hbm:s0], s1  }
0x6a: {  	s0 =	simm.s32 @!p0 $0x3  }
0x6b: {  	_ =	swait.ge @!p0 [sflag:s0], s1  }
0x6c: {  	s1 =	ssub.s32 @!p0 $0x0, s1;
	[sflag:s0] =	ssyncset.done @!p0 $0x0  }
0x6d: {  	[sflag:s0] =	ssyncadd.s32 @!p0 s1  }
0x6e: {  	[bflag:$0x3] =	sbarrier.arrive $0xFFFF  }
0x6f: {  	_ =	shalt  }

// kernel: kernel.13.cloned.1.call-start
scs
__scs_entry_jumppad:
0x0: {  	(pc) =	sbr.rel $0x88, $3  }
0x1: {  	(tag) =	ssettag $0x0;
	lr =	simm.s32 $0x1  }
0x2: {  	[smem:$0x3F9B] =	sst lr;
	_ =	strace $0xD0000000  }
0x3: {  	_ = 	snop  }
0x4: {  	_ = 	snop  }
0x5: {  	_ = 	snop  }
0x6: {  	_ = 	snop  }
0x7: {  	_ = 	snop  }
__scs_overlays_trampoline_lowered:
0x8: {  	[smem:$0x3FAA] =	sst s0  }
0x9: {  	[smem:$0x3FAB] =	sst s1  }
0xa: {  	[smem:$0x3FAC] =	sst s2  }
0xb: {  	[smem:$0x3FAD] =	sst s3  }
0xc: {  	[smem:$0x3FAE] =	sst s4  }
0xd: {  	[smem:$0x3FAF] =	sst s5  }
0xe: {  	[smem:$0x3FB0] =	sst s6  }
0xf: {  	[smem:$0x3FB1] =	sst s7  }
0x10: {  	[smem:$0x3FB2] =	sst s8  }
0x11: {  	[smem:$0x3FB3] =	sst s9;
	s0 =	simm.s32 @!p0 $0x0  }
0x12: {  	s1 =	sld [smem:$0x3F99];
	s0 =	simm.s32 @p0 $0x1  }
0x13: {  	[smem:$0x3FB4] =	sst s0;
	s0 =	simm.s32 @!p1 $0x0  }
0x14: {  	s2 =	sld [smem:$0x3F98];
	s0 =	simm.s32 @p1 $0x1  }
0x15: {  	[smem:$0x3FB5] =	sst s0;
	s0 =	simm.s32 @!p2 $0x0  }
0x16: {  	s3 =	sld [smem:$0x3FDB];
	s0 =	simm.s32 @p2 $0x1  }
0x17: {  	s4 =	simm.s32 $0x1BF5;
	[smem:$0x3FB7] =	sst s0  }
0x18: {  	s0 =	sld [smem:$0x3F9A];
	_ =	swait.ge [sflag:s4], $0x0  }
0x19: {  	s7 =	sld [smem:$0x3F9B]  }
0x1a: {  	s8 =	sadd.s32 $0xFFFFE003, lr  }
0x1b: {  	s9 =	sadd.s32 $0xFFFFFEF7, lr;
	s5 =	simm.s32 $0xFFFFFFFF;
	p2 =	slt.u32 s8, $0xFFFFF086  }
0x1c: {  	p1 =	slt.u32 s9, $0xF7A;
	s5 =	simm.s32 @!p2 $0x0  }
0x1d: {  	s5 =	simm.s32 @p1 $0x1;
	p0 =	seq.s32 s7, s2  }
0x1e: {  	s7 =	smul.u32 @!p0 $0xF7A, s2;
	p2 =	seq.s32 @!p0 s5, $0x0  }
0x1f: {  	s9 =	smul.u32 $0xF7A, s1;
	s8 =	simm.s32 @!p0 $0x1BF5;
	p2 =	por !p2, p0  }
0x20: {  	[sflag:s8] =	ssyncset.s32 @!p0 $0xFFFFF086;
	s6 =	sadd.s32 @!p0 s3, s7;
	s7 =	simm.s32 @!p0 $0x108  }
0x21: {  	s3 =	sadd.s32 s3, s9;
	s6 =	sadd.s32 @!p0 $0x88, s6;
	s7 =	simm.s32 @p2 $0x1082  }
0x22: {  	[simem:s7], [sflag:s8] =	dma.local @!p0 [hbm:s6], $0xF7A  }
0x23: {  	s9 =	sor.u32 $0xD0000000, s2;
	s6 =	simm.s32 $0x108;
	_ =	swait.ge @!p0 [sflag:s8], $0x0  }
0x24: {  	s3 =	sadd.s32 $0x88, s3;
	s6 =	simm.s32 @!p1 $0x1082;
	[sflag:s4] =	ssyncset.s32 $0xFFFFF086  }
0x25: {  	[simem:s6], [sflag:s4] =	dma.local [hbm:s3], $0xF7A  }
0x26: {  	[smem:$0x3F9B] =	sst s1;
	(tag) =	ssettag s2;
	_ =	strace s9  }
0x27: {  	s1 =	sld [smem:$0x3FAB]  }
0x28: {  	s2 =	sld [smem:$0x3FAC]  }
0x29: {  	s4 =	sld [smem:$0x3FAE]  }
0x2a: {  	p0 =	seq.s32 s5, $0x0;
	s5 =	sld [smem:$0x3FAF]  }
0x2b: {  	s6 =	sld [smem:$0x3FB0]  }
0x2c: {  	s7 =	sld [smem:$0x3FB1]  }
0x2d: {  	s3 =	simm.s32 $0x108;
	s8 =	sld [smem:$0x3FB2]  }
0x2e: {  	s3 =	simm.s32 @!p0 $0x1082;
	s9 =	sld [smem:$0x3FB3]  }
0x2f: {  	lr =	sadd.s32 s0, s3;
	s0 =	sld [smem:$0x3FAA]  }
0x30: {  	s3 =	sld [smem:$0x3FAD]  }
0x31: {  	[smem:$0x3FB6] =	sst s10  }
0x32: {  	s10 =	sld [smem:$0x3FB4];
	_ =	sdelay $0x3  }
0x33: {  	p0 =	seq.s32 s10, $0x1;
	s10 =	sld [smem:$0x3FB6];
	_ =	sdelay $0x3  }
0x34: {  	[smem:$0x3FB6] =	sst s10  }
0x35: {  	s10 =	sld [smem:$0x3FB5];
	_ =	sdelay $0x3  }
0x36: {  	p1 =	seq.s32 s10, $0x1;
	s10 =	sld [smem:$0x3FB6];
	_ =	sdelay $0x3  }
0x37: {  	[smem:$0x3FB6] =	sst s10  }
0x38: {  	s10 =	sld [smem:$0x3FB7]  }
0x39: {  	_ = 	snop;
	(pc) =	sbr.ind lr, $3  }
0x3a: {  	_ = 	snop  }
0x3b: {  	_ = 	snop  }
0x3c: {  	p2 =	seq.s32 s10, $0x1;
	s10 =	sld [smem:$0x3FB6]  }
0x3d: {  	_ =	shalt  }
0x3e: {  	_ =	shalt  }
0x3f: {  	_ =	shalt  }
0x40: {  	_ =	shalt  }
0x41: {  	_ =	shalt  }
0x42: {  	_ =	shalt  }
0x43: {  	_ =	shalt  }
0x44: {  	_ =	shalt  }
0x45: {  	_ =	shalt  }
0x46: {  	_ =	shalt  }
0x47: {  	_ =	shalt  }
0x48: {  	_ =	shalt  }
0x49: {  	_ =	shalt  }
0x4a: {  	_ =	shalt  }
0x4b: {  	_ =	shalt  }
0x4c: {  	_ =	shalt  }
0x4d: {  	_ =	shalt  }
0x4e: {  	_ =	shalt  }
0x4f: {  	_ =	shalt  }
0x50: {  	_ =	shalt  }
0x51: {  	_ =	shalt  }
0x52: {  	_ =	shalt  }
0x53: {  	_ =	shalt  }
0x54: {  	_ =	shalt  }
0x55: {  	_ =	shalt  }
0x56: {  	_ =	shalt  }
0x57: {  	_ =	shalt  }
0x58: {  	_ =	shalt  }
0x59: {  	_ =	shalt  }
0x5a: {  	_ =	shalt  }
0x5b: {  	_ =	shalt  }
0x5c: {  	_ =	shalt  }
0x5d: {  	_ =	shalt  }
0x5e: {  	_ =	shalt  }
0x5f: {  	_ =	shalt  }
0x60: {  	_ =	shalt  }
0x61: {  	_ =	shalt  }
0x62: {  	_ =	shalt  }
0x63: {  	_ =	shalt  }
0x64: {  	_ =	shalt  }
0x65: {  	_ =	shalt  }
0x66: {  	_ =	shalt  }
0x67: {  	_ =	shalt  }
0x68: {  	_ =	shalt  }
0x69: {  	_ =	shalt  }
0x6a: {  	_ =	shalt  }
0x6b: {  	_ =	shalt  }
0x6c: {  	_ =	shalt  }
0x6d: {  	_ =	shalt  }
0x6e: {  	_ =	shalt  }
0x6f: {  	_ =	shalt  }
0x70: {  	_ =	shalt  }
0x71: {  	_ =	shalt  }
0x72: {  	_ =	shalt  }
0x73: {  	_ =	shalt  }
0x74: {  	_ =	shalt  }
0x75: {  	_ =	shalt  }
0x76: {  	_ =	shalt  }
0x77: {  	_ =	shalt  }
0x78: {  	_ =	shalt  }
0x79: {  	_ =	shalt  }
0x7a: {  	_ =	shalt  }
0x7b: {  	_ =	shalt  }
0x7c: {  	_ =	shalt  }
0x7d: {  	_ =	shalt  }
0x7e: {  	_ =	shalt  }
0x7f: {  	_ =	shalt  }
0x80: {  	_ =	shalt  }
0x81: {  	_ =	shalt  }
0x82: {  	_ =	shalt  }
0x83: {  	_ =	shalt  }
0x84: {  	_ =	shalt  }
0x85: {  	_ =	shalt  }
0x86: {  	_ =	shalt  }
0x87: {  	_ =	shalt  }
.Lfunc_end0:
.L_simem_size_0:
called_computation.2_lowered:
.L_overlay_start_0:
0x88: {  	s2 =	sld [smem:$0x3FD9]  }
0x89: {  	s3 =	sld [smem:$0x3FFE];
	_ =	sdelay $0x1  }
0x8a: {  	s1 =	srdreg.scid  }
0x8b: {  	s0 =	sand.u32 $0x1, s1  }
0x8c: {  	s17 =	sshll.u32 s0, $0xA;
	s2 =	sadd.s32 s3, s2  }
0x8d: {  	s2 =	sadd.s32 s2, s17  }
0x8e: {  	[smem:$0x3FC2] =	sst s2  }
0x8f: {  	_ = 	snop  }
0x90: {  	s2 =	sld [smem:$0x3FC6];
	(tm) =	ssettm $0x1  }
0x91: {  	s18 =	sld [smem:$0x3FFB];
	_ =	sdelay $0x3  }
0x92: {  	_ =	strace s18  }
0x93: {  	s3 =	sld [smem:$0x3FFC];
	_ =	sdelay $0x3  }
0x94: {  	_ =	strace s3  }
0x95: {  	s3 =	sld [smem:$0x3FFD];
	_ =	sdelay $0x3  }
0x96: {  	_ =	strace s3  }
0x97: {  	_ =	strace $0x8FFFFFFF  }
0x98: {  	s19 =	sld [smem:$0x3FDB];
	_ =	sdelay $0x1  }
0x99: {  	s4 =	simm.s32 $_scs_section_size  }
0x9a: {  	s5 =	simm.s32 $_size__tile_overlayer_lowered;
	s6 =	simm.s32 $_tile_overlayer_lowered  }
0x9b: {  	s22 =	simm.s32 $0x1BFF;
	s21 =	sshll.u32 s6, $0x1;
	s3 =	sadd.s32 s4, s19  }
0x9c: {  	s7 =	simm.s32 $0x0;
	s20 =	sshll.u32 s5, $0x1;
	s5 =	sadd.s32 s21, s3  }
0x9d: {  	[timem:s7], [sflag:s22] =	dma.local [hbm:s5], s20  }
0x9e: {  	_ =	swait.ge [sflag:s22], s20  }
0x9f: {  	s4 =	ssub.s32 $0x0, s20;
	[sflag:s22] =	ssyncset.done $0x0  }
0xa0: {  	[sflag:s22] =	ssyncadd.s32 s4;
	_ =	sdelay $0x1  }
0xa1: {  	s23 =	simm.s32 $0x1B8B  }
0xa2: {  	_ =	swait.ge [sflag:s23], $0x1  }
0xa3: {  	[sflag:s23] =	ssyncset.done $0x0  }
0xa4: {  	s25 =	simm.s32 $0x1B8E;
	s24 =	sld [smem:$0x3FFE];
	[sflag:s23] =	ssyncadd.s32 $0xFFFFFFFF  }
0xa5: {  	s26 =	simm.s32 $execute0_lowered;
	[smem:$0x3FD2] =	sst s25  }
0xa6: {  	s5 =	sshll.u32 s26, $0x1;
	_ =	strace $0x8000004C;
	[dreg:$0x1] =	wrdreg $0xFFFFFFFF  }
0xa7: {  	s28 =	simm.s32 $_size_execute0_lowered;
	s3 =	sadd.s32 s3, s5;
	[dreg:$0x0] =	wrdreg $0x0  }
0xa8: {  	s5 =	sshll.u32 s28, $0x1;
	[dreg:$0x2] =	wrdreg s3  }
0xa9: {  	[dreg:$0x3] =	wrdreg s5  }
0xaa: {  	[dreg:$0x4] =	wrdreg $0xC0  }
0xab: {  	_ =	task [dreg:s7], $0x5FFFF  }
0xac: {  	[dreg:$0x1] =	wrdreg $0xFFFFFFFF  }
0xad: {  	[dreg:$0x0] =	wrdreg $0x60  }
0xae: {  	[dreg:$0x2] =	wrdreg s24  }
0xaf: {  	[dreg:$0x3] =	wrdreg s2  }
0xb0: {  	[dreg:$0x4] =	wrdreg $0x11B800  }
0xb1: {  	[dreg:$0x5] =	wrdreg $0x142900  }
0xb2: {  	[dreg:$0x6] =	wrdreg $0x9  }
0xb3: {  	_ =	task.clear_ibuf [dreg:s7], $0x7FFFF;
	_ =	strace $0x9000004C  }
0xb4: {  	s29 =	simm.s32 $0x9;
	_ =	strace $0x8000004E  }
0xb5: {  	_ =	swait.ge [sflag:s29], $0x1  }
0xb6: {  	[sflag:s29] =	ssyncadd.s32 $0xFFFFFFFF  }
0xb7: {  	_ =	strace $0x9000004E  }
0xb8: {  	_ =	sfence  }
0xb9: {  	s30 =	sld [smem:$0x0];
	_ =	sdelay $0x2  }
0xba: {  	s31 =	sshll.u32 s1, $0xD;
	s1 =	sshrl.u32 s1, $0x2  }
0xbb: {  	s3 =	sand.u32 $0x4000, s31;
	s1 =	sadd.s32 s1, s30  }
0xbc: {  	s0 =	sor.u32 s3, s0;
	s1 =	sshll.u32 s1, $0x11  }
0xbd: {  	s0 =	sor.u32 s1, s0  }
0xbe: {  	s0 =	sadd.s32 $0x8F2B, s0  }
0xbf: {  	[sflag:s0] =	ssyncadd.remote.s32 $0x1  }
0xc0: {  	_ =	sfence.sel $0xFFFF  }
0xc1: {  	[dreg:$0x0] =	wrdreg $0xFFFFFFFF;
	(pc) =	sbr.abs _section_cstart, $3  }
0xc2: {  	[dreg:$0x1] =	wrdreg $0xFFFFFFFF  }
0xc3: {  	_ =	task.clear_ibuf [dreg:s7], $0x2FFFF;
	_ =	strace $0x9FFFFFFF  }
0xc4: {  	(tm) =	ssettm $0x7FFFFFFF  }
0xc5: {  	_ =	shalt  }
tec
execute0_lowered:
.L_overlay_start_1:
0x0: {  	(tag) =	ssettag $0x1  }
0x1: {  	s1 =	rddreg [dreg:$0x0]  }
0x2: {  	s0 =	srdreg.scid;
	s3 =	rddreg [dreg:$0x2]  }
0x3: {  	s5 =	stileid.u32;
	s4 =	rddreg [dreg:$0x3];
	s6 =	simm.s32 $0x0  }
0x4: {  	s17 =	simm.s32 $0x5820;
	s18 =	simm.s32 $0x3;
	s19 =	simm.s32 $0x7F30  }
0x5: {  	s20 =	simm.s32 $0xA640;
	s21 =	simm.s32 $0xCD50;
	s22 =	simm.s32 $0xF460  }
0x6: {  	s23 =	simm.s32 $0x11B70;
	s24 =	simm.s32 $0x2710;
	s25 =	simm.s32 $0x50  }
0x7: {  	s28 =	simm.s32 $0x1;
	s29 =	simm.s32 $0x5320;
	s30 =	simm.s32 $0x2  }
0x8: {  	s31 =	simm.s32 $0x4DD0;
	s0 =	sand.u32 $0x1, s0;
	s13 =	smul.u32 $0x2710, s5  }
0x9: {  	[smem:$0x7FF] =	sst s6;
	s2 =	sshll.u32 s0, $0x4;
	s26 =	smul.u32 $0x27100, s0  }
0xa: {  	_ =	strace $0x8000004D;
	s7 =	ssub.s32 $0x2, s0;
	p0 =	sne.s32 s0, $0x0  }
0xb: {  	s2 =	sor.u32 s5, s2;
	s8 =	sshrl.u32 s13, $0x3;
	s9 =	sshrl.u32 s7, $0x1  }
0xc: {  	s2 =	smul.u32 $0x2710, s2;
	s6 =	sadd.s32 s13, s26;
	s16 =	ssub.s32 s7, s9  }
0xd: {  	s26 =	simm.s32 $0x4E20;
	s6 =	sshrl.u32 s6, $0x3;
	s16 =	smax.u32 s16, $0x1  }
0xe: {  	s2 =	sshrl.u32 s2, $0x3;
	s15 =	sadd.s32 s6, s1;
	s6 =	sadd.s32 s13, s3  }
0xf: {  	s13 =	sadd.s32 s13, s4;
	s2 =	sadd.s32 s2, s1;
	s1 =	sadd.s32 s8, s1  }
0x10: {  	s15 =	sadd.s32 $0x2EA00, s15;
	s7 =	sadd.s32 $0x15C00, s1;
	s8 =	sadd.s32 $0x1AC00, s1  }
0x11: {  	s9 =	sadd.s32 $0x1FA20, s1;
	s10 =	sadd.s32 $0x24A00, s1;
	s11 =	sadd.s32 $0x2200, s2  }
0x12: {  	v0 =	vimm.f32 $0.0e+00;
	s12 =	sadd.s32 $0xBE40, s2;
	s14 =	sadd.s32 $0x29A00, s1;
	s2 =	simm.s32 $0x0  }
.LBB2_1:
0x13: {  	s0 =	simm.s32 $0x40;
	s1 =	simm.s32 $0x0  }
.LBB2_2:
0x14: {  	p1 =	sne.s32 s0, $0x9C00;
	[tilespmem:s1+$0x5820] =	vst v0;
	s1 =	smov.u32 s0;
	s0 =	sadd.s32 $0x40, s0  }
.Ltmp0:
0x15: {  	(pc) =	sbr.rel @p1 .LBB2_2-.Ltmp0, $2  }
0x16: {  	_ =	sdelay $0x2  }
0x17: {  	s1 =	sshra.s32 s1, $0x2  }
0x18: {  	[tilespmem:s1+$0x5820] =	vst v0  }
0x19: {  	[spmem:s6] =	stream.linear.scatter [tilespmem:s17], [sflag:$0x3], $0x2710, $0x38;
	[tilespmem:$0x169A0] =	vst v63  }
0x1a: {  	_ =	swait.ge [sflag:s18], $0x2710  }
0x1b: {  	[sflag:s18] =	ssyncset.done $0x0  }
0x1c: {  	s0 =	simm.s32 $0x0;
	[sflag:s18] =	ssyncadd.s32 $0xFFFFD8F0  }
0x1d: {  	[tilespmem:s19], [sflag:$0x3] =	stream.linear.gather [hbm4b:s7+s0], $0x2710, $0x38;
	[tilespmem:$0x169A0] =	vst v63  }
0x1e: {  	_ =	swait.ge [sflag:s18], $0x2710  }
0x1f: {  	[sflag:s18] =	ssyncset.done $0x0  }
0x20: {  	[sflag:s18] =	ssyncadd.s32 $0xFFFFD8F0  }
0x21: {  	[tilespmem:s20], [sflag:$0x3] =	stream.linear.gather [hbm4b:s8+s0], $0x2710, $0x38;
	[tilespmem:$0x169A0] =	vst v63  }
0x22: {  	_ =	swait.ge [sflag:s18], $0x2710  }
0x23: {  	[sflag:s18] =	ssyncset.done $0x0  }
0x24: {  	[sflag:s18] =	ssyncadd.s32 $0xFFFFD8F0  }
0x25: {  	[tilespmem:s21], [sflag:$0x3] =	stream.linear.gather [hbm4b:s9+s0], $0x2710, $0x38;
	[tilespmem:$0x169A0] =	vst v63  }
0x26: {  	_ =	swait.ge [sflag:s18], $0x2710  }
0x27: {  	[sflag:s18] =	ssyncset.done $0x0  }
0x28: {  	[sflag:s18] =	ssyncadd.s32 $0xFFFFD8F0  }
0x29: {  	[tilespmem:s22], [sflag:$0x3] =	stream.linear.gather [hbm4b:s10+s0], $0x2710, $0x38;
	[tilespmem:$0x169A0] =	vst v63  }
0x2a: {  	_ =	swait.ge [sflag:s18], $0x2710  }
0x2b: {  	[sflag:s18] =	ssyncset.done $0x0  }
0x2c: {  	[sflag:s18] =	ssyncadd.s32 $0xFFFFD8F0  }
0x2d: {  	s5 =	rddreg [dreg:$0x1]  }
0x2e: {  	[tilespmem:s23], [sflag:$0x3] =	stream.linear.gather [hbm4b:s5+s0], $0x10, $0x38;
	[tilespmem:$0x169A0] =	vst v63  }
0x2f: {  	_ =	swait.ge [sflag:s18], $0x10  }
0x30: {  	[sflag:s18] =	ssyncset.done $0x0  }
0x31: {  	[sflag:s18] =	ssyncadd.s32 $0xFFFFFFF0  }
0x32: {  	[tilespmem:s0], [sflag:$0x3] =	stream.linear.gather [hbm4b:s11+s0], $0x2710, $0x38;
	[tilespmem:$0x169A0] =	vst v63  }
0x33: {  	_ =	swait.ge [sflag:s18], $0x2710  }
0x34: {  	[sflag:s18] =	ssyncset.done $0x0  }
0x35: {  	[sflag:s18] =	ssyncadd.s32 $0xFFFFD8F0  }
0x36: {  	[tilespmem:s24], [sflag:$0x3] =	stream.linear.gather [hbm4b:s12+s0], $0x2710, $0x38;
	[tilespmem:$0x169A0] =	vst v63  }
0x37: {  	_ =	swait.ge [sflag:s18], $0x2710  }
0x38: {  	[sflag:s18] =	ssyncset.done $0x0  }
0x39: {  	[sflag:s18] =	ssyncadd.s32 $0xFFFFD8F0  }
0x3a: {  	s0 =	simm.s32 $0x0;
	v1 =	vld [tilespmem:$0x11B70]  }
0x3b: {  	s1 =	simm.s32 $0x40;
	v2 =	vld [tilespmem:s0+$0xA640]  }
.LBB2_4:
0x3c: {  	p1 =	sne.s32 s1, $0x9C00;
	v3 =	vld [tilespmem:s0+$0x7F30];
	_ =	sdelay $0x1  }
0x3d: {  	v4 =	vld [tilespmem:s0+$0xCD50];
	_ =	sdelay $0x1  }
0x3e: {  	v5 =	vld [tilespmem:s0+$0xF460]  }
0x3f: {  	v2 =	vadd.f32 v2, v3;
	_ =	sdelay $0x1  }
0x40: {  	v2 =	vadd.f32 v4, v2;
	_ =	sdelay $0x1  }
0x41: {  	v2 =	vmul.f32 v2, v5;
	_ =	sdelay $0x1  }
0x42: {  	v2 =	vadd.f32 v2, v1  }
.Ltmp1:
0x43: {  	(pc) =	sbr.rel @p1 .LBB2_4-.Ltmp1, $4  }
0x44: {  	v2 =	vmax.f32 v2, $0.0e+00  }
0x45: {  	v3 =	vmul.f32 v2, v5  }
0x46: {  	s5 =	sshra.s32 s1, $0x2  }
0x47: {  	s1 =	sadd.s32 $0x40, s1;
	v2 =	vld [tilespmem:s5+$0xA640];
	[tilespmem:s0+$0x7F30] =	vst v3;
	s0 =	smov.u32 s5  }
0x48: {  	v3 =	vld [tilespmem:s0+$0x7F30];
	_ =	sdelay $0x1  }
0x49: {  	v4 =	vld [tilespmem:s0+$0xCD50];
	_ =	sdelay $0x1  }
0x4a: {  	v5 =	vld [tilespmem:s0+$0xF460]  }
0x4b: {  	v2 =	vadd.f32 v2, v3;
	_ =	sdelay $0x1  }
0x4c: {  	v2 =	vadd.f32 v4, v2;
	_ =	sdelay $0x1  }
0x4d: {  	v2 =	vmul.f32 v2, v5;
	_ =	sdelay $0x1  }
0x4e: {  	v1 =	vadd.f32 v2, v1;
	_ =	sdelay $0x1  }
0x4f: {  	v1 =	vmax.f32 v1, $0.0e+00  }
0x50: {  	v1 =	vmul.f32 v1, v5;
	_ =	sdelay $0x1  }
0x51: {  	[tilespmem:s0+$0x7F30] =	vst v1  }
0x52: {  	[spmem:s13] =	stream.linear.scatter [tilespmem:s19], [sflag:$0x3], $0x2710, $0x38;
	[tilespmem:$0x169A0] =	vst v63  }
0x53: {  	_ =	swait.ge [sflag:s18], $0x2710  }
0x54: {  	[sflag:s18] =	ssyncset.done $0x0  }
0x55: {  	s1 =	simm.s32 @!p0 $0x7F30;
	s0 =	simm.s32 @!p0 $0x0;
	[sflag:s18] =	ssyncadd.s32 $0xFFFFD8F0  }
0x56: {  	[hbm4b:s14+s0] =	stream.linear.scatter @!p0 [tilespmem:s1], [sflag:$0x3], $0x2710, $0x38;
	[tilespmem:$0x169A0] =	vst v63  }
0x57: {  	s0 =	simm.s32 @!p0 $0x3  }
0x58: {  	_ =	swait.ge @!p0 [sflag:s0], $0x2710  }
0x59: {  	[sflag:s0] =	ssyncset.done @!p0 $0x0  }
0x5a: {  	[sflag:s0] =	ssyncadd.s32 @!p0 $0xFFFFD8F0  }
0x5b: {  	s5 =	simm.s32 $0x0;
	[bflag:$0x0] =	sbarrier.arrive $0xFFFF  }
0x5c: {  	[tilespmem:s26], [sflag:$0x1] =	stream.indirect.gather [spmem:s4], $0x10, s5, s25, $0xb8;
	[tilespmem:$0x169A0] =	vst v63  }
0x5d: {  	_ =	swait.ge [sflag:s28], $0x500  }
0x5e: {  	[sflag:s28] =	ssyncset.done $0x0  }
0x5f: {  	s1 =	simm.s32 $0x50;
	[sflag:s28] =	ssyncadd.s32 $0xFFFFFB00  }
0x60: {  	[tilespmem:s29], [sflag:$0x2] =	stream.indirect.gather [spmem:s4], $0x10, s1, s25, $0xb8;
	[tilespmem:$0x169A0] =	vst v63  }
0x61: {  	s5 =	simm.s32 $0x2710  }
0x62: {  	[spmem:s3] =	stream.indirect.scatter.add.f32 [tilespmem:s26], [sflag:$0x3], $0x10, s5, s25, $0xb8;
	[tilespmem:$0x169A0] =	vst v63  }
0x63: {  	_ =	swait.ge [sflag:s18], $0x500  }
0x64: {  	[sflag:s18] =	ssyncset.done $0x0  }
0x65: {  	[sflag:s18] =	ssyncadd.s32 $0xFFFFFB00  }
0x66: {  	_ =	swait.ge [sflag:s30], $0x500  }
0x67: {  	[sflag:s30] =	ssyncset.done $0x0  }
0x68: {  	s1 =	simm.s32 $0xA0;
	[sflag:s30] =	ssyncadd.s32 $0xFFFFFB00  }
0x69: {  	[tilespmem:s26], [sflag:$0x1] =	stream.indirect.gather [spmem:s4], $0x10, s1, s25, $0xb8;
	[tilespmem:$0x169A0] =	vst v63  }
0x6a: {  	s5 =	simm.s32 $0x2760  }
0x6b: {  	[spmem:s3] =	stream.indirect.scatter.add.f32 [tilespmem:s29], [sflag:$0x3], $0x10, s5, s25, $0xb8;
	[tilespmem:$0x169A0] =	vst v63  }
0x6c: {  	_ =	swait.ge [sflag:s18], $0x500  }
0x6d: {  	s0 =	simm.s32 $0x280;
	[sflag:s18] =	ssyncset.done $0x0  }
.LBB2_6:
0x6e: {  	p1 =	sne.s32 s0, $0x9880  }
0x6f: {  	[sflag:s18] =	ssyncadd.s32 $0xFFFFFB00;
	s1 =	smov.u32 s0;
	s0 =	sadd.s32 $0x280, s0  }
0x70: {  	_ = 	snop  }
0x71: {  	_ =	swait.ge [sflag:s28], $0x500  }
0x72: {  	s1 =	sshra.s32 s1, $0x2;
	[sflag:s28] =	ssyncset.done $0x0  }
0x73: {  	s5 =	sadd.s32 $0x50, s1;
	[sflag:s28] =	ssyncadd.s32 $0xFFFFFB00  }
0x74: {  	[tilespmem:s29], [sflag:$0x2] =	stream.indirect.gather [spmem:s4], $0x10, s5, s25, $0xb8;
	[tilespmem:$0x169A0] =	vst v63  }
0x75: {  	s5 =	sadd.s32 $0x2710, s1  }
0x76: {  	[spmem:s3] =	stream.indirect.scatter.add.f32 [tilespmem:s26], [sflag:$0x3], $0x10, s5, s25, $0xb8;
	[tilespmem:$0x169A0] =	vst v63  }
0x77: {  	_ =	swait.ge [sflag:s18], $0x500  }
0x78: {  	[sflag:s18] =	ssyncset.done $0x0  }
0x79: {  	[sflag:s18] =	ssyncadd.s32 $0xFFFFFB00  }
0x7a: {  	_ =	swait.ge [sflag:s30], $0x500  }
0x7b: {  	[sflag:s30] =	ssyncset.done $0x0  }
0x7c: {  	s5 =	sadd.s32 $0xA0, s1;
	[sflag:s30] =	ssyncadd.s32 $0xFFFFFB00  }
0x7d: {  	[tilespmem:s26], [sflag:$0x1] =	stream.indirect.gather [spmem:s4], $0x10, s5, s25, $0xb8;
	[tilespmem:$0x169A0] =	vst v63  }
.Ltmp2:
0x7e: {  	_ = 	snop;
	(pc) =	sbr.rel @p1 .LBB2_6-.Ltmp2, $4  }
0x7f: {  	s1 =	sadd.s32 $0x2760, s1  }
0x80: {  	[spmem:s3] =	stream.indirect.scatter.add.f32 [tilespmem:s29], [sflag:$0x3], $0x10, s1, s25, $0xb8;
	[tilespmem:$0x169A0] =	vst v63  }
0x81: {  	_ =	swait.ge [sflag:s18], $0x500  }
0x82: {  	[sflag:s18] =	ssyncset.done $0x0  }
0x83: {  	[sflag:s18] =	ssyncadd.s32 $0xFFFFFB00  }
0x84: {  	_ =	swait.ge [sflag:s28], $0x500  }
0x85: {  	[sflag:s28] =	ssyncset.done $0x0  }
0x86: {  	[sflag:s28] =	ssyncadd.s32 $0xFFFFFB00  }
0x87: {  	[spmem:s3] =	stream.indirect.scatter.add.f32 [tilespmem:s26], [sflag:$0x3], $0x10, s31, s25, $0xb8;
	[tilespmem:$0x169A0] =	vst v63  }
0x88: {  	_ =	swait.ge [sflag:s18], $0x500  }
0x89: {  	[sflag:s18] =	ssyncset.done $0x0  }
0x8a: {  	[sflag:s18] =	ssyncadd.s32 $0xFFFFFB00  }
0x8b: {  	[bflag:$0x0] =	sbarrier.arrive $0xFFFF  }
0x8c: {  	[tilespmem:s17], [sflag:$0x3] =	stream.linear.gather [spmem:s6], $0x2710, $0x38;
	[tilespmem:$0x169A0] =	vst v63  }
0x8d: {  	s2 =	sadd.s32 $0x1, s2;
	_ =	swait.ge [sflag:s18], $0x2710  }
0x8e: {  	p1 =	sne.s32 s2, s16;
	[sflag:s18] =	ssyncset.done $0x0  }
.Ltmp3:
0x8f: {  	s0 =	simm.s32 $0x0;
	[sflag:s18] =	ssyncadd.s32 $0xFFFFD8F0;
	(pc) =	sbr.rel @p1 .LBB2_1-.Ltmp3, $4  }
0x90: {  	[hbm4b:s15+s0] =	stream.linear.scatter [tilespmem:s17], [sflag:$0x3], $0x2710, $0x38;
	[tilespmem:$0x169A0] =	vst v63  }
0x91: {  	_ =	swait.ge [sflag:s18], $0x2710  }
0x92: {  	[sflag:s18] =	ssyncset.done $0x0  }
0x93: {  	[sflag:s18] =	ssyncadd.s32 $0xFFFFD8F0  }
0x94: {  	_ =	sfence.sel $0x180000  }
0x95: {  	[bflag:$0x0] =	sbarrier.arrive $0xFFFF  }
0x96: {  	_ =	strace $0x9000004D  }
0x97: {  	s0 =	stileid.u32;
	[bflag:$0x2] =	sbarrier.arrive $0xFFFF  }
0x98: {  	p0 =	sne.s32 s0, $0x0;
	s0 =	rddreg [dreg:$0x4]  }
0x99: {  	s0 =	sadd.s32 @!p0 $0x100000, s0  }
0x9a: {  	[sflag:s0] =	ssyncadd.tile.s32 @!p0 $0x1;
	_ =	shalt  }
.Lfunc_end2:
_tile_overlayer_lowered:
.L_overlay_start_2:
0x9b: {  	(tag) =	ssettag $0x2  }
0x9c: {  	s0 =	rddreg [dreg:$0x0];
	s2 =	stileid.u32  }
0x9d: {  	s1 =	rddreg [dreg:$0x1];
	p0 =	sne.s32 s2, $0x0  }
0x9e: {  	s3 =	rddreg [dreg:$0x2];
	[bflag:$0x3] =	sbarrier.arrive $0xFFFF;
	s2 =	simm.s32 @!p0 $0x1C03  }
0x9f: {  	[timem:s3], [sflag:s2] =	dma.local @!p0 [hbm:s0], s1  }
0xa0: {  	s0 =	simm.s32 @!p0 $0x3  }
0xa1: {  	_ =	swait.ge @!p0 [sflag:s0], s1  }
0xa2: {  	s1 =	ssub.s32 @!p0 $0x0, s1;
	[sflag:s0] =	ssyncset.done @!p0 $0x0  }
0xa3: {  	[sflag:s0] =	ssyncadd.s32 @!p0 s1  }
0xa4: {  	[bflag:$0x3] =	sbarrier.arrive $0xFFFF  }
0xa5: {  	_ =	shalt  }

// kernel: kernel.7.cloned.1.call-start
scs
__scs_entry_jumppad:
0x0: {  	(pc) =	sbr.rel $0x88, $3  }
0x1: {  	(tag) =	ssettag $0x0;
	lr =	simm.s32 $0x1  }
0x2: {  	[smem:$0x3F9B] =	sst lr;
	_ =	strace $0xD0000000  }
0x3: {  	_ = 	snop  }
0x4: {  	_ = 	snop  }
0x5: {  	_ = 	snop  }
0x6: {  	_ = 	snop  }
0x7: {  	_ = 	snop  }
__scs_overlays_trampoline_lowered:
0x8: {  	[smem:$0x3FAA] =	sst s0  }
0x9: {  	[smem:$0x3FAB] =	sst s1  }
0xa: {  	[smem:$0x3FAC] =	sst s2  }
0xb: {  	[smem:$0x3FAD] =	sst s3  }
0xc: {  	[smem:$0x3FAE] =	sst s4  }
0xd: {  	[smem:$0x3FAF] =	sst s5  }
0xe: {  	[smem:$0x3FB0] =	sst s6  }
0xf: {  	[smem:$0x3FB1] =	sst s7  }
0x10: {  	[smem:$0x3FB2] =	sst s8  }
0x11: {  	[smem:$0x3FB3] =	sst s9;
	s0 =	simm.s32 @!p0 $0x0  }
0x12: {  	s1 =	sld [smem:$0x3F99];
	s0 =	simm.s32 @p0 $0x1  }
0x13: {  	[smem:$0x3FB4] =	sst s0;
	s0 =	simm.s32 @!p1 $0x0  }
0x14: {  	s2 =	sld [smem:$0x3F98];
	s0 =	simm.s32 @p1 $0x1  }
0x15: {  	[smem:$0x3FB5] =	sst s0;
	s0 =	simm.s32 @!p2 $0x0  }
0x16: {  	s3 =	sld [smem:$0x3FDB];
	s0 =	simm.s32 @p2 $0x1  }
0x17: {  	s4 =	simm.s32 $0x1BF5;
	[smem:$0x3FB7] =	sst s0  }
0x18: {  	s0 =	sld [smem:$0x3F9A];
	_ =	swait.ge [sflag:s4], $0x0  }
0x19: {  	s7 =	sld [smem:$0x3F9B]  }
0x1a: {  	s8 =	sadd.s32 $0xFFFFE003, lr  }
0x1b: {  	s9 =	sadd.s32 $0xFFFFFEF7, lr;
	s5 =	simm.s32 $0xFFFFFFFF;
	p2 =	slt.u32 s8, $0xFFFFF086  }
0x1c: {  	p1 =	slt.u32 s9, $0xF7A;
	s5 =	simm.s32 @!p2 $0x0  }
0x1d: {  	s5 =	simm.s32 @p1 $0x1;
	p0 =	seq.s32 s7, s2  }
0x1e: {  	s7 =	smul.u32 @!p0 $0xF7A, s2;
	p2 =	seq.s32 @!p0 s5, $0x0  }
0x1f: {  	s9 =	smul.u32 $0xF7A, s1;
	s8 =	simm.s32 @!p0 $0x1BF5;
	p2 =	por !p2, p0  }
0x20: {  	[sflag:s8] =	ssyncset.s32 @!p0 $0xFFFFF086;
	s6 =	sadd.s32 @!p0 s3, s7;
	s7 =	simm.s32 @!p0 $0x108  }
0x21: {  	s3 =	sadd.s32 s3, s9;
	s6 =	sadd.s32 @!p0 $0x88, s6;
	s7 =	simm.s32 @p2 $0x1082  }
0x22: {  	[simem:s7], [sflag:s8] =	dma.local @!p0 [hbm:s6], $0xF7A  }
0x23: {  	s9 =	sor.u32 $0xD0000000, s2;
	s6 =	simm.s32 $0x108;
	_ =	swait.ge @!p0 [sflag:s8], $0x0  }
0x24: {  	s3 =	sadd.s32 $0x88, s3;
	s6 =	simm.s32 @!p1 $0x1082;
	[sflag:s4] =	ssyncset.s32 $0xFFFFF086  }
0x25: {  	[simem:s6], [sflag:s4] =	dma.local [hbm:s3], $0xF7A  }
0x26: {  	[smem:$0x3F9B] =	sst s1;
	(tag) =	ssettag s2;
	_ =	strace s9  }
0x27: {  	s1 =	sld [smem:$0x3FAB]  }
0x28: {  	s2 =	sld [smem:$0x3FAC]  }
0x29: {  	s4 =	sld [smem:$0x3FAE]  }
0x2a: {  	p0 =	seq.s32 s5, $0x0;
	s5 =	sld [smem:$0x3FAF]  }
0x2b: {  	s6 =	sld [smem:$0x3FB0]  }
0x2c: {  	s7 =	sld [smem:$0x3FB1]  }
0x2d: {  	s3 =	simm.s32 $0x108;
	s8 =	sld [smem:$0x3FB2]  }
0x2e: {  	s3 =	simm.s32 @!p0 $0x1082;
	s9 =	sld [smem:$0x3FB3]  }
0x2f: {  	lr =	sadd.s32 s0, s3;
	s0 =	sld [smem:$0x3FAA]  }
0x30: {  	s3 =	sld [smem:$0x3FAD]  }
0x31: {  	[smem:$0x3FB6] =	sst s10  }
0x32: {  	s10 =	sld [smem:$0x3FB4];
	_ =	sdelay $0x3  }
0x33: {  	p0 =	seq.s32 s10, $0x1;
	s10 =	sld [smem:$0x3FB6];
	_ =	sdelay $0x3  }
0x34: {  	[smem:$0x3FB6] =	sst s10  }
0x35: {  	s10 =	sld [smem:$0x3FB5];
	_ =	sdelay $0x3  }
0x36: {  	p1 =	seq.s32 s10, $0x1;
	s10 =	sld [smem:$0x3FB6];
	_ =	sdelay $0x3  }
0x37: {  	[smem:$0x3FB6] =	sst s10  }
0x38: {  	s10 =	sld [smem:$0x3FB7]  }
0x39: {  	_ = 	snop;
	(pc) =	sbr.ind lr, $3  }
0x3a: {  	_ = 	snop  }
0x3b: {  	_ = 	snop  }
0x3c: {  	p2 =	seq.s32 s10, $0x1;
	s10 =	sld [smem:$0x3FB6]  }
0x3d: {  	_ =	shalt  }
0x3e: {  	_ =	shalt  }
0x3f: {  	_ =	shalt  }
0x40: {  	_ =	shalt  }
0x41: {  	_ =	shalt  }
0x42: {  	_ =	shalt  }
0x43: {  	_ =	shalt  }
0x44: {  	_ =	shalt  }
0x45: {  	_ =	shalt  }
0x46: {  	_ =	shalt  }
0x47: {  	_ =	shalt  }
0x48: {  	_ =	shalt  }
0x49: {  	_ =	shalt  }
0x4a: {  	_ =	shalt  }
0x4b: {  	_ =	shalt  }
0x4c: {  	_ =	shalt  }
0x4d: {  	_ =	shalt  }
0x4e: {  	_ =	shalt  }
0x4f: {  	_ =	shalt  }
0x50: {  	_ =	shalt  }
0x51: {  	_ =	shalt  }
0x52: {  	_ =	shalt  }
0x53: {  	_ =	shalt  }
0x54: {  	_ =	shalt  }
0x55: {  	_ =	shalt  }
0x56: {  	_ =	shalt  }
0x57: {  	_ =	shalt  }
0x58: {  	_ =	shalt  }
0x59: {  	_ =	shalt  }
0x5a: {  	_ =	shalt  }
0x5b: {  	_ =	shalt  }
0x5c: {  	_ =	shalt  }
0x5d: {  	_ =	shalt  }
0x5e: {  	_ =	shalt  }
0x5f: {  	_ =	shalt  }
0x60: {  	_ =	shalt  }
0x61: {  	_ =	shalt  }
0x62: {  	_ =	shalt  }
0x63: {  	_ =	shalt  }
0x64: {  	_ =	shalt  }
0x65: {  	_ =	shalt  }
0x66: {  	_ =	shalt  }
0x67: {  	_ =	shalt  }
0x68: {  	_ =	shalt  }
0x69: {  	_ =	shalt  }
0x6a: {  	_ =	shalt  }
0x6b: {  	_ =	shalt  }
0x6c: {  	_ =	shalt  }
0x6d: {  	_ =	shalt  }
0x6e: {  	_ =	shalt  }
0x6f: {  	_ =	shalt  }
0x70: {  	_ =	shalt  }
0x71: {  	_ =	shalt  }
0x72: {  	_ =	shalt  }
0x73: {  	_ =	shalt  }
0x74: {  	_ =	shalt  }
0x75: {  	_ =	shalt  }
0x76: {  	_ =	shalt  }
0x77: {  	_ =	shalt  }
0x78: {  	_ =	shalt  }
0x79: {  	_ =	shalt  }
0x7a: {  	_ =	shalt  }
0x7b: {  	_ =	shalt  }
0x7c: {  	_ =	shalt  }
0x7d: {  	_ =	shalt  }
0x7e: {  	_ =	shalt  }
0x7f: {  	_ =	shalt  }
0x80: {  	_ =	shalt  }
0x81: {  	_ =	shalt  }
0x82: {  	_ =	shalt  }
0x83: {  	_ =	shalt  }
0x84: {  	_ =	shalt  }
0x85: {  	_ =	shalt  }
0x86: {  	_ =	shalt  }
0x87: {  	_ =	shalt  }
.Lfunc_end0:
.L_simem_size_0:
called_computation_lowered:
.L_overlay_start_0:
0x88: {  	s2 =	sld [smem:$0x3FD9]  }
0x89: {  	s3 =	sld [smem:$0x3FFE];
	_ =	sdelay $0x1  }
0x8a: {  	s1 =	srdreg.scid  }
0x8b: {  	s0 =	sand.u32 $0x1, s1  }
0x8c: {  	s16 =	sshll.u32 s0, $0xA;
	s2 =	sadd.s32 s3, s2  }
0x8d: {  	s2 =	sadd.s32 s2, s16  }
0x8e: {  	[smem:$0x3FC2] =	sst s2  }
0x8f: {  	_ = 	snop  }
0x90: {  	(tm) =	ssettm $0x1  }
0x91: {  	s17 =	sld [smem:$0x3FFB];
	_ =	sdelay $0x3  }
0x92: {  	_ =	strace s17  }
0x93: {  	s2 =	sld [smem:$0x3FFC];
	_ =	sdelay $0x3  }
0x94: {  	_ =	strace s2  }
0x95: {  	s2 =	sld [smem:$0x3FFD];
	_ =	sdelay $0x3  }
0x96: {  	_ =	strace s2  }
0x97: {  	_ =	strace $0x8FFFFFFF  }
0x98: {  	s18 =	sld [smem:$0x3FDB];
	_ =	sdelay $0x1  }
0x99: {  	s19 =	simm.s32 $_scs_section_size  }
0x9a: {  	s4 =	simm.s32 $_size__tile_overlayer_lowered;
	s5 =	simm.s32 $_tile_overlayer_lowered  }
0x9b: {  	s22 =	simm.s32 $0x1BFF;
	s21 =	sshll.u32 s5, $0x1;
	s2 =	sadd.s32 s19, s18  }
0x9c: {  	s6 =	simm.s32 $0x0;
	s20 =	sshll.u32 s4, $0x1;
	s4 =	sadd.s32 s21, s2  }
0x9d: {  	[timem:s6], [sflag:s22] =	dma.local [hbm:s4], s20  }
0x9e: {  	_ =	swait.ge [sflag:s22], s20  }
0x9f: {  	s3 =	ssub.s32 $0x0, s20;
	[sflag:s22] =	ssyncset.done $0x0  }
0xa0: {  	[sflag:s22] =	ssyncadd.s32 s3;
	_ =	sdelay $0x1  }
0xa1: {  	s23 =	simm.s32 $0x1B8B  }
0xa2: {  	_ =	swait.ge [sflag:s23], $0x1  }
0xa3: {  	[sflag:s23] =	ssyncset.done $0x0  }
0xa4: {  	s25 =	simm.s32 $0x1B8E;
	s24 =	sld [smem:$0x3FFE];
	[sflag:s23] =	ssyncadd.s32 $0xFFFFFFFF  }
0xa5: {  	s26 =	simm.s32 $execute0_lowered;
	[smem:$0x3FD2] =	sst s25  }
0xa6: {  	s4 =	sshll.u32 s26, $0x1;
	_ =	strace $0x80000046;
	[dreg:$0x1] =	wrdreg $0xFFFFFFFF  }
0xa7: {  	s28 =	simm.s32 $_size_execute0_lowered;
	s2 =	sadd.s32 s2, s4;
	[dreg:$0x0] =	wrdreg $0x0  }
0xa8: {  	s4 =	sshll.u32 s28, $0x1;
	[dreg:$0x2] =	wrdreg s2  }
0xa9: {  	[dreg:$0x3] =	wrdreg s4  }
0xaa: {  	[dreg:$0x4] =	wrdreg $0xC0  }
0xab: {  	_ =	task [dreg:s6], $0x5FFFF  }
0xac: {  	[dreg:$0x1] =	wrdreg $0xFFFFFFFF  }
0xad: {  	[dreg:$0x0] =	wrdreg $0x60  }
0xae: {  	[dreg:$0x2] =	wrdreg s24  }
0xaf: {  	[dreg:$0x3] =	wrdreg $0x53200  }
0xb0: {  	[dreg:$0x4] =	wrdreg $0x9  }
0xb1: {  	_ =	task.clear_ibuf [dreg:s6], $0x5FFFF;
	_ =	strace $0x90000046  }
0xb2: {  	s29 =	simm.s32 $0x9;
	_ =	strace $0x80000048  }
0xb3: {  	_ =	swait.ge [sflag:s29], $0x1  }
0xb4: {  	[sflag:s29] =	ssyncadd.s32 $0xFFFFFFFF  }
0xb5: {  	_ =	strace $0x90000048  }
0xb6: {  	_ =	sfence  }
0xb7: {  	s30 =	sld [smem:$0x0];
	_ =	sdelay $0x2  }
0xb8: {  	s31 =	sshll.u32 s1, $0xD;
	s1 =	sshrl.u32 s1, $0x2  }
0xb9: {  	s3 =	sand.u32 $0x4000, s31;
	s1 =	sadd.s32 s1, s30  }
0xba: {  	s0 =	sor.u32 s3, s0;
	s1 =	sshll.u32 s1, $0x11  }
0xbb: {  	s0 =	sor.u32 s1, s0  }
0xbc: {  	s0 =	sadd.s32 $0x8F2B, s0  }
0xbd: {  	[sflag:s0] =	ssyncadd.remote.s32 $0x1  }
0xbe: {  	_ =	sfence.sel $0xFFFF  }
0xbf: {  	[dreg:$0x0] =	wrdreg $0xFFFFFFFF;
	(pc) =	sbr.abs _section_cstart, $3  }
0xc0: {  	[dreg:$0x1] =	wrdreg $0xFFFFFFFF  }
0xc1: {  	_ =	task.clear_ibuf [dreg:s6], $0x2FFFF;
	_ =	strace $0x9FFFFFFF  }
0xc2: {  	(tm) =	ssettm $0x7FFFFFFF  }
0xc3: {  	_ =	shalt  }
tec
execute0_lowered:
.L_overlay_start_1:
0x0: {  	(tag) =	ssettag $0x1  }
0x1: {  	s4 =	rddreg [dreg:$0x0]  }
0x2: {  	s2 =	rddreg [dreg:$0x1];
	s1 =	srdreg.scid  }
0x3: {  	s0 =	rddreg [dreg:$0x2];
	s3 =	simm.s32 $0x0;
	s10 =	simm.s32 $0x50  }
0x4: {  	s11 =	simm.s32 $0x2710;
	s12 =	simm.s32 $0xA0;
	s13 =	simm.s32 $0xF0  }
0x5: {  	s14 =	simm.s32 $0x1;
	s5 =	sand.u32 $0x1, s1;
	s1 =	stileid.u32  }
0x6: {  	s15 =	simm.s32 $0x0;
	[smem:$0x7FF] =	sst s3;
	s6 =	smul.u32 $0x27100, s5  }
0x7: {  	s7 =	smul.u32 $0x2710, s1;
	s8 =	sshll.u32 s5, $0x4;
	_ =	strace $0x80000047  }
0x8: {  	s5 =	ssub.s32 $0x2, s5;
	s30 =	smul.u32 $0x9C40, s1;
	s8 =	sor.u32 s1, s8  }
0x9: {  	s9 =	sshrl.u32 s5, $0x1;
	s6 =	sadd.s32 s7, s6;
	s29 =	smul.u32 $0x2710, s8  }
0xa: {  	s9 =	ssub.s32 s5, s9;
	s31 =	sshrl.u32 s30, $0x2;
	s6 =	sshrl.u32 s6, $0x3  }
0xb: {  	s8 =	simm.s32 $0x2C10;
	s6 =	sadd.s32 s6, s4;
	s7 =	sshrl.u32 s29, $0x3  }
0xc: {  	s7 =	sadd.s32 s4, s7;
	s4 =	sadd.s32 s31, s2;
	s6 =	sadd.s32 $0x15C00, s6  }
0xd: {  	v0 =	vimm.f32 $1.000000000e+00;
	v1 =	vimm.f32 $0.0e+00;
	s5 =	sadd.s32 $0xBE40, s7;
	s7 =	smax.u32 s9, $0x1;
	s9 =	simm.s32 $0x2  }
.LBB2_1:
0xe: {  	s16 =	simm.s32 $0x0  }
.LBB2_2:
0xf: {  	p0 =	sne.s32 s16, $0x13C0  }
.Ltmp0:
0x10: {  	_ = 	snop;
	(pc) =	sbr.rel @p0 .LBB2_2-.Ltmp0, $3  }
0x11: {  	_ =	sdelay $0x1  }
0x12: {  	s17 =	sshra.s32 s16, $0x2  }
0x13: {  	s16 =	sadd.s32 $0x40, s16;
	[tilespmem:s17+$0x2710] =	vst v0  }
0x14: {  	s16 =	simm.s32 $0x40;
	s17 =	simm.s32 $0x0  }
.LBB2_4:
0x15: {  	p0 =	sne.s32 s16, $0x9C00;
	[tilespmem:s17+$0x2C10] =	vst v1;
	s17 =	smov.u32 s16;
	s16 =	sadd.s32 $0x40, s16  }
.Ltmp1:
0x16: {  	(pc) =	sbr.rel @p0 .LBB2_4-.Ltmp1, $2  }
0x17: {  	_ =	sdelay $0x2  }
0x18: {  	s17 =	sshra.s32 s17, $0x2  }
0x19: {  	[tilespmem:s17+$0x2C10] =	vst v1  }
0x1a: {  	[spmem:s4] =	stream.linear.scatter [tilespmem:s8], [sflag:$0x2], $0x2710, $0x38;
	[tilespmem:$0x7A30] =	vst v63  }
0x1b: {  	_ =	swait.ge [sflag:s9], $0x2710  }
0x1c: {  	[sflag:s9] =	ssyncset.done $0x0  }
0x1d: {  	[sflag:s9] =	ssyncadd.s32 $0xFFFFD8F0  }
0x1e: {  	[tilespmem:s3], [sflag:$0x2] =	stream.linear.gather [hbm4b:s5+s3], $0x2710, $0x38;
	[tilespmem:$0x7A30] =	vst v63  }
0x1f: {  	_ =	swait.ge [sflag:s9], $0x2710  }
0x20: {  	[sflag:s9] =	ssyncset.done $0x0  }
0x21: {  	[sflag:s9] =	ssyncadd.s32 $0xFFFFD8F0  }
0x22: {  	[bflag:$0x0] =	sbarrier.arrive $0xFFFF  }
0x23: {  	[spmem:s2] =	stream.indirect.scatter.add.f32 [tilespmem:s11], [sflag:$0x1], $0x10, s3, s10, $0xb8;
	[tilespmem:$0x7A30] =	vst v63  }
0x24: {  	_ = 	snop  }
0x25: {  	[spmem:s2] =	stream.indirect.scatter.add.f32 [tilespmem:s11], [sflag:$0x1], $0x10, s10, s10, $0xb8;
	[tilespmem:$0x7A30] =	vst v63  }
0x26: {  	_ = 	snop  }
0x27: {  	[spmem:s2] =	stream.indirect.scatter.add.f32 [tilespmem:s11], [sflag:$0x1], $0x10, s12, s10, $0xb8;
	[tilespmem:$0x7A30] =	vst v63  }
0x28: {  	_ = 	snop  }
0x29: {  	[spmem:s2] =	stream.indirect.scatter.add.f32 [tilespmem:s11], [sflag:$0x1], $0x10, s13, s10, $0xb8;
	[tilespmem:$0x7A30] =	vst v63  }
0x2a: {  	_ =	swait.ge [sflag:s14], $0x500  }
0x2b: {  	[sflag:s14] =	ssyncset.done $0x0  }
0x2c: {  	s16 =	simm.s32 $0x640;
	s17 =	simm.s32 $0x140;
	[sflag:s14] =	ssyncadd.s32 $0xFFFFFB00  }
.LBB2_6:
0x2d: {  	[spmem:s2] =	stream.indirect.scatter.add.f32 [tilespmem:s11], [sflag:$0x1], $0x10, s17, s10, $0xb8;
	[tilespmem:$0x7A30] =	vst v63  }
0x2e: {  	s17 =	smov.u32 s16;
	p0 =	sne.s32 s16, $0x9B00  }
.Ltmp2:
0x2f: {  	s16 =	sadd.s32 $0x140, s16;
	(pc) =	sbr.rel @p0 .LBB2_6-.Ltmp2, $4  }
0x30: {  	_ = 	snop  }
0x31: {  	_ =	swait.ge [sflag:s14], $0x500  }
0x32: {  	[sflag:s14] =	ssyncset.done $0x0  }
0x33: {  	s17 =	sshra.s32 s17, $0x2;
	[sflag:s14] =	ssyncadd.s32 $0xFFFFFB00  }
0x34: {  	[spmem:s2] =	stream.indirect.scatter.add.f32 [tilespmem:s11], [sflag:$0x1], $0x10, s17, s10, $0xb8;
	[tilespmem:$0x7A30] =	vst v63  }
0x35: {  	_ =	swait.ge [sflag:s14], $0x500  }
0x36: {  	[sflag:s14] =	ssyncset.done $0x0  }
0x37: {  	[sflag:s14] =	ssyncadd.s32 $0xFFFFFB00  }
0x38: {  	_ =	swait.ge [sflag:s14], $0x500  }
0x39: {  	[sflag:s14] =	ssyncset.done $0x0  }
0x3a: {  	[sflag:s14] =	ssyncadd.s32 $0xFFFFFB00  }
0x3b: {  	_ =	swait.ge [sflag:s14], $0x500  }
0x3c: {  	[sflag:s14] =	ssyncset.done $0x0  }
0x3d: {  	[sflag:s14] =	ssyncadd.s32 $0xFFFFFB00  }
0x3e: {  	_ =	swait.ge [sflag:s14], $0x500  }
0x3f: {  	[sflag:s14] =	ssyncset.done $0x0  }
0x40: {  	[sflag:s14] =	ssyncadd.s32 $0xFFFFFB00  }
0x41: {  	[bflag:$0x0] =	sbarrier.arrive $0xFFFF  }
0x42: {  	[tilespmem:s8], [sflag:$0x2] =	stream.linear.gather [spmem:s4], $0x2710, $0x38;
	[tilespmem:$0x7A30] =	vst v63  }
0x43: {  	s15 =	sadd.s32 $0x1, s15;
	_ =	swait.ge [sflag:s9], $0x2710  }
0x44: {  	p0 =	sne.s32 s15, s7;
	[sflag:s9] =	ssyncset.done $0x0  }
.Ltmp3:
0x45: {  	[sflag:s9] =	ssyncadd.s32 $0xFFFFD8F0;
	(pc) =	sbr.rel @p0 .LBB2_1-.Ltmp3, $4  }
0x46: {  	[hbm4b:s6+s3] =	stream.linear.scatter [tilespmem:s8], [sflag:$0x2], $0x2710, $0x38;
	[tilespmem:$0x7A30] =	vst v63  }
0x47: {  	_ =	swait.ge [sflag:s9], $0x2710  }
0x48: {  	[sflag:s9] =	ssyncset.done $0x0  }
0x49: {  	[sflag:s9] =	ssyncadd.s32 $0xFFFFD8F0  }
0x4a: {  	_ =	sfence.sel $0x180000  }
0x4b: {  	[bflag:$0x0] =	sbarrier.arrive $0xFFFF  }
0x4c: {  	p0 =	sne.s32 s1, $0x0;
	_ =	strace $0x90000047  }
0x4d: {  	s0 =	sadd.s32 @!p0 $0x100000, s0;
	[bflag:$0x2] =	sbarrier.arrive $0xFFFF  }
0x4e: {  	[sflag:s0] =	ssyncadd.tile.s32 @!p0 $0x1;
	_ =	shalt  }
.Lfunc_end2:
_tile_overlayer_lowered:
.L_overlay_start_2:
0x4f: {  	(tag) =	ssettag $0x2  }
0x50: {  	s0 =	rddreg [dreg:$0x0];
	s2 =	stileid.u32  }
0x51: {  	s1 =	rddreg [dreg:$0x1];
	p0 =	sne.s32 s2, $0x0  }
0x52: {  	s3 =	rddreg [dreg:$0x2];
	[bflag:$0x3] =	sbarrier.arrive $0xFFFF;
	s2 =	simm.s32 @!p0 $0x1C02  }
0x53: {  	[timem:s3], [sflag:s2] =	dma.local @!p0 [hbm:s0], s1  }
0x54: {  	s0 =	simm.s32 @!p0 $0x2  }
0x55: {  	_ =	swait.ge @!p0 [sflag:s0], s1  }
0x56: {  	s1 =	ssub.s32 @!p0 $0x0, s1;
	[sflag:s0] =	ssyncset.done @!p0 $0x0  }
0x57: {  	[sflag:s0] =	ssyncadd.s32 @!p0 s1  }
0x58: {  	[bflag:$0x3] =	sbarrier.arrive $0xFFFF  }
0x59: {  	_ =	shalt  }

</sc_bundles>
